<compile_context>
chip_gen: v7x
topology: tpu7x:2x2x1
jax: 0.10.2.dev20260603
libtpu: 0.0.44.dev20260713+nightly
codegen_flags: <defaults>
</compile_context>

<pallas_src>
import functools

import numpy as np
import jax
import jax.numpy as jnp
from jax import lax
from jax.experimental import pallas as pl
from jax.experimental.pallas import tpu as pltpu
from jax.experimental.pallas import tpu_sc as plsc

C = 200
CP = 208
IH, IW = 113, 200
OH, OW = 225, 400
HW = OH * OW
ZERO_ROW = HW
OHP = 240
TROWS = OHP * OW
N = 262144

NC, NS = 2, 16
NW = NC * NS
BW = N // NW
CH = 128
NCH = BW // CH
SUP = 2048
F32 = jnp.float32


def _wmat(in_size, out_size, out_pad):
    scale = out_size / in_size
    sample_f = (np.arange(out_size, dtype=np.float64) + 0.5) / scale - 0.5
    x = np.abs(sample_f[None, :] - np.arange(in_size, dtype=np.float64)[:, None])
    w = np.maximum(0.0, 1.0 - x)
    total = w.sum(axis=0, keepdims=True)
    w = np.where(total > 0, w / total, 0)
    out = np.zeros((out_pad, in_size), dtype=np.float32)
    out[:out_size, :] = w.T.astype(np.float32)
    return out

IHP = 120
_BI = 8

_AH = _wmat(IH, OH, OHP)
_AHP = np.zeros((OHP, IHP), dtype=np.float32)
_AHP[:, :IH] = _AH
_AW = _wmat(IW, OW, OW)

_HI = jax.lax.Precision.HIGHEST


def _a1_body(aw_ref, x_ref, o_ref):
    i = pl.program_id(0)
    for di in range(_BI):
        blk = x_ref[:, di, :]
        res = lax.dot_general(
            aw_ref[...], blk, (((1,), (1,)), ((), ())),
            preferred_element_type=F32, precision=_HI)
        o_ref[di, :, :C] = res
        o_ref[di, :, C:] = jnp.zeros((OW, CP - C), F32)
    @pl.when(i == IHP // _BI - 1)
    def _():
        o_ref[pl.ds(1, _BI - 1)] = jnp.zeros((_BI - 1, OW, CP), F32)


_a1 = pl.pallas_call(
    _a1_body,
    grid=(IHP // _BI,),
    in_specs=[
        pl.BlockSpec((OW, IW), lambda i: (0, 0)),
        pl.BlockSpec((C, _BI, IW), lambda i: (0, i, 0)),
    ],
    out_specs=pl.BlockSpec((_BI, OW, CP), lambda i: (i, 0, 0)),
    out_shape=jax.ShapeDtypeStruct((IHP, OW, CP), F32),
)


_KB = 3328


def _a2_body(ah_ref, u_ref, o_ref):
    o_ref[...] = lax.dot_general(
        ah_ref[...], u_ref[...], (((1,), (0,)), ((), ())),
        preferred_element_type=F32, precision=_HI)


_a2 = pl.pallas_call(
    _a2_body,
    grid=(OW * CP // _KB,),
    in_specs=[
        pl.BlockSpec((OHP, IHP), lambda k: (0, 0)),
        pl.BlockSpec((IHP, _KB), lambda k: (0, k)),
    ],
    out_specs=pl.BlockSpec((OHP, _KB), lambda k: (0, k)),
    out_shape=jax.ShapeDtypeStruct((OHP, OW * CP), F32),
)


_NB = 4


def _sc_body(table, pixx, pixy, maski, outa, outb,
             pixx_v, pixy_v, mask_v, idx_v,
             rows0, rows1, rows2, rows3,
             g0, g1, g2, g3, w0, w1, w2, w3, v0, v1, v2, v3):
    wid = lax.axis_index("s") * NC + lax.axis_index("c")
    base = wid * BW

    with jax.named_scope("idx_phase"):
      for sc in range(BW // SUP):
        pltpu.sync_copy(pixx.at[pl.ds(base + sc * SUP, SUP)], pixx_v)
        pltpu.sync_copy(pixy.at[pl.ds(base + sc * SUP, SUP)], pixy_v)
        pltpu.sync_copy(maski.at[pl.ds(base + sc * SUP, SUP)], mask_v)

        def _idx_step(i, _, sc=sc):
            x = pixx_v[pl.ds(i * 16, 16)]
            y = pixy_v[pl.ds(i * 16, 16)]
            m = mask_v[pl.ds(i * 16, 16)]
            pad = ZERO_ROW + wid * 128 + (
                (i * 16 + lax.iota(jnp.int32, 16)) & 127)
            idx = jnp.where(m != 0, y * OW + x, pad)
            idx_v[pl.ds(sc * SUP + i * 16, 16)] = idx
            return 0

        lax.fori_loop(0, SUP // 16, _idx_step, 0)

    rows_sl = (rows0, rows1, rows2, rows3)
    gsem = (g0, g1, g2, g3)
    wsem = (w0, w1, w2, w3)
    vsem = (v0, v1, v2, v3)

    def _gissue(k, s):
        pltpu.async_copy(table.at[idx_v.at[pl.ds(k * CH, CH)]],
                         rows_sl[s], gsem[s])

    def _gwait(s):
        pltpu.make_async_copy(table.at[pl.ds(0, CH)],
                              rows_sl[s], gsem[s]).wait()

    def _wissue(k, s):
        pltpu.async_copy(rows_sl[s].at[:, pl.ds(0, 128)],
                         outa.at[pl.ds(base + k * CH, CH)], wsem[s])
        pltpu.async_copy(rows_sl[s].at[:, pl.ds(80, 128)],
                         outb.at[pl.ds(base + k * CH, CH)], vsem[s])

    def _wwait(s):
        pltpu.make_async_copy(rows_sl[s].at[:, pl.ds(0, 128)],
                              outa.at[pl.ds(0, CH)], wsem[s]).wait()
        pltpu.make_async_copy(rows_sl[s].at[:, pl.ds(80, 128)],
                              outb.at[pl.ds(0, CH)], vsem[s]).wait()

    with jax.named_scope("gather_phase"):
      for k in range(_NB):
        _gissue(k, k)
        if k >= 2:
            _gwait(k - 2)
            _wissue(k - 2, k - 2)

      def _quad(t, _):
        for s in range(_NB):
            k = 4 * t + s
            s2 = (s + 2) % _NB
            _wwait(s)
            _gissue(k, s)
            _gwait(s2)
            _wissue(k - 2, s2)
        return 0

      lax.fori_loop(1, NCH // _NB, _quad, 0)
      for j in range(NCH - 2, NCH):
        sj = j % _NB
        _gwait(sj)
        _wissue(j, sj)
      for s in range(_NB):
        _wwait(s)


@functools.lru_cache(maxsize=1)
def _get_sc_gather():
    return pl.kernel(
        _sc_body,
        out_type=[jax.ShapeDtypeStruct((N, 128), F32),
                  jax.ShapeDtypeStruct((N, 128), F32)],
        mesh=plsc.VectorSubcoreMesh(core_axis_name="c", subcore_axis_name="s",
                                    num_cores=NC, num_subcores=NS),
        compiler_params=pltpu.CompilerParams(use_tc_tiling_on_sc=False),
        scratch_types=[
            pltpu.VMEM((SUP,), jnp.int32),
            pltpu.VMEM((SUP,), jnp.int32),
            pltpu.VMEM((SUP,), jnp.int32),
            pltpu.VMEM((BW,), jnp.int32),
            pltpu.VMEM((CH, CP), F32),
            pltpu.VMEM((CH, CP), F32),
            pltpu.VMEM((CH, CP), F32),
            pltpu.VMEM((CH, CP), F32),
        ] + [pltpu.SemaphoreType.DMA] * 12,
    )


_BN = 512


def _c_body(ga_ref, gb_ref, o_ref):
    o_ref[0:128, :] = jnp.transpose(ga_ref[...], (1, 0))
    tb = jnp.transpose(gb_ref[...], (1, 0))
    o_ref[128:200, :] = tb[48:120, :]


_c_t = pl.pallas_call(
    _c_body,
    grid=(N // _BN,),
    in_specs=[pl.BlockSpec((_BN, 128), lambda b: (b, 0)),
              pl.BlockSpec((_BN, 128), lambda b: (b, 0))],
    out_specs=pl.BlockSpec((C, _BN), lambda b: (0, b)),
    out_shape=jax.ShapeDtypeStruct((C, N), F32),
)


def kernel(x2d, pix, mask):
    u = _a1(jnp.asarray(_AW), x2d)
    t = _a2(jnp.asarray(_AHP), u.reshape(IHP, OW * CP))
    table = t.reshape(TROWS, CP)
    ga, gb = _get_sc_gather()(table, pix[:, 0], pix[:, 1],
                              mask.astype(jnp.int32))
    out = _c_t(ga, gb)
    return out.reshape(C, 128, 128, 16)

# --- scband reference (transcript-rebuilt; emitter-appended) ---
"""Pipeline reference for scband-flo-sp-4440996184145 (READ-ONLY COPY).

The authoritative reference and input builder live on the scoring server;
editing this copy changes nothing except your own understanding.
"""

import jax, jax.numpy as jnp
import numpy as np

SCENE_SIZE = (256, 256, 32)
PROJECT_SCALE = 2
C = 200
UP_H, UP_W = 225, 400


def _upsample(x2d, H, W):
    c = x2d.shape[0]
    return jax.image.resize(x2d, (c, H, W), method='bilinear')


def setup_inputs(seed: int = 0) -> dict:
    key = jax.random.key(seed)
    k1, k2, k3 = jax.random.split(key, 3)
    N = (SCENE_SIZE[0] // PROJECT_SCALE) * (SCENE_SIZE[1] // PROJECT_SCALE) * (SCENE_SIZE[2] // PROJECT_SCALE)
    x2d = jax.random.normal(k1, (C, 113, 200), dtype=jnp.float32)
    pix = jax.random.randint(k2, (N, 2), 0, 225, dtype=jnp.int32)
    mask = jax.random.randint(k3, (N,), 0, 2, dtype=jnp.int32).astype(bool)
    return {"x2d": x2d, "pix": pix, "mask": mask}


def reference(x2d, pix, mask):
    x2d = _upsample(x2d, UP_H, UP_W)
    c, h, w = x2d.shape
    hw = h * w
    src = x2d.reshape(c, -1)
    zeros_vec = jnp.zeros((c, 1), dtype=src.dtype)
    src = jnp.concatenate([src, zeros_vec], axis=1)
    pix_x = pix[:, 0]
    pix_y = pix[:, 1]
    img_indices = pix_y.astype(jnp.int32) * w + pix_x.astype(jnp.int32)
    f_m = ~mask
    img_indices = jnp.where(f_m, hw, img_indices)
    # gather: expand indices across channels, gather along flattened pixel dim
    src_feature = jnp.take(src, img_indices, axis=1)
    x3d = src_feature.reshape(
        c,
        SCENE_SIZE[0] // PROJECT_SCALE,
        SCENE_SIZE[1] // PROJECT_SCALE,
        SCENE_SIZE[2] // PROJECT_SCALE,
    )
    return x3d

if __name__ == "__main__":
    import jax
    _d = setup_inputs()
    print(jax.jit(kernel)(*tuple(_d.values())))

</pallas_src>

<mosaic_0001>
#map = affine_map<(d0, d1) -> (0, 0)>
#map1 = affine_map<(d0, d1) -> (0)>
module attributes {stable_mosaic.version = 14 : i64} {
  func.func @_sc_body(%arg0: i32, %arg1: i32, %arg2: memref<96000x208xf32, #tpu.memory_space<hbm>>, %arg3: memref<262144xi32, #tpu.memory_space<hbm>>, %arg4: memref<262144xi32, #tpu.memory_space<hbm>>, %arg5: memref<262144xi32, #tpu.memory_space<hbm>>, %arg6: memref<262144x128xf32, #tpu.memory_space<hbm>>, %arg7: memref<262144x128xf32, #tpu.memory_space<hbm>>, %arg8: memref<2048xi32, #tpu.memory_space<vmem>>, %arg9: memref<2048xi32, #tpu.memory_space<vmem>>, %arg10: memref<2048xi32, #tpu.memory_space<vmem>>, %arg11: memref<8192xi32, #tpu.memory_space<vmem>>, %arg12: memref<128x208xf32, #tpu.memory_space<vmem>>, %arg13: memref<128x208xf32, #tpu.memory_space<vmem>>, %arg14: memref<128x208xf32, #tpu.memory_space<vmem>>, %arg15: memref<128x208xf32, #tpu.memory_space<vmem>>, %arg16: memref<!tpu.dma_semaphore, #tpu.memory_space<semaphore_mem>>, %arg17: memref<!tpu.dma_semaphore, #tpu.memory_space<semaphore_mem>>, %arg18: memref<!tpu.dma_semaphore, #tpu.memory_space<semaphore_mem>>, %arg19: memref<!tpu.dma_semaphore, #tpu.memory_space<semaphore_mem>>, %arg20: memref<!tpu.dma_semaphore, #tpu.memory_space<semaphore_mem>>, %arg21: memref<!tpu.dma_semaphore, #tpu.memory_space<semaphore_mem>>, %arg22: memref<!tpu.dma_semaphore, #tpu.memory_space<semaphore_mem>>, %arg23: memref<!tpu.dma_semaphore, #tpu.memory_space<semaphore_mem>>, %arg24: memref<!tpu.dma_semaphore, #tpu.memory_space<semaphore_mem>>, %arg25: memref<!tpu.dma_semaphore, #tpu.memory_space<semaphore_mem>>, %arg26: memref<!tpu.dma_semaphore, #tpu.memory_space<semaphore_mem>>, %arg27: memref<!tpu.dma_semaphore, #tpu.memory_space<semaphore_mem>>) attributes {dimension_semantics = [#tpu.dimension_semantics<core_parallel>, #tpu.dimension_semantics<subcore_parallel>], iteration_bounds = array<i64: 2, 16>, scalar_prefetch = 0 : i64, scratch_operands = 20 : i64, tpu.core_type = #tpu.core_type<sc_vector_subcore>, window_params = [{transform_indices = #map}, {transform_indices = #map1}, {transform_indices = #map1}, {transform_indices = #map1}, {transform_indices = #map}, {transform_indices = #map}]} {
    %mul3A = arith.constant 2 : i32
    %mul3A_0 = arith.muli %arg1, %mul3A : i32
    %add3A = arith.addi %mul3A_0, %arg0 : i32
    %mul3A_1 = arith.constant 8192 : i32
    %mul3A_2 = arith.muli %add3A, %mul3A_1 : i32
    "tpu.trace_start"() <{level = 10 : i32, message = "idx_phase"}> : () -> ()
    %add3A_3 = arith.constant 0 : i32
    %add3A_4 = arith.addi %mul3A_2, %add3A_3 : i32
    "tpu.region"() ({
      %run_scoped3A = tpu.sem_alloc : memref<!tpu.dma_semaphore, #tpu.memory_space<semaphore_mem>>
      %dma_start3A_295 = tpu.memref_slice %arg3[%add3A_4] : memref<262144xi32, #tpu.memory_space<hbm>> -> memref<2048xi32, #tpu.memory_space<hbm>>
      %dma_start3A_296 = tpu.memref_slice %arg3[%add3A_4] : memref<262144xi32, #tpu.memory_space<hbm>> -> memref<2048xi32, #tpu.memory_space<hbm>>
      tpu.enqueue_dma source(%dma_start3A_296 : memref<2048xi32, #tpu.memory_space<hbm>>) target(%arg8 : memref<2048xi32, #tpu.memory_space<vmem>>) target_semaphore(%run_scoped3A : memref<!tpu.dma_semaphore, #tpu.memory_space<semaphore_mem>>)
      %dma_wait3A_297 = tpu.memref_slice %arg3[%add3A_4] : memref<262144xi32, #tpu.memory_space<hbm>> -> memref<2048xi32, #tpu.memory_space<hbm>>
      %dma_wait3A_298 = tpu.memref_slice %arg3[%add3A_4] : memref<262144xi32, #tpu.memory_space<hbm>> -> memref<2048xi32, #tpu.memory_space<hbm>>
      tpu.wait_dma2 semaphore(%run_scoped3A : memref<!tpu.dma_semaphore, #tpu.memory_space<semaphore_mem>>) src(%dma_wait3A_298 : memref<2048xi32, #tpu.memory_space<hbm>>) dst(%arg8 : memref<2048xi32, #tpu.memory_space<vmem>>)
      tpu.yield
    }) : () -> ()
    %add3A_5 = arith.constant 0 : i32
    %add3A_6 = arith.addi %mul3A_2, %add3A_5 : i32
    "tpu.region"() ({
      %run_scoped3A = tpu.sem_alloc : memref<!tpu.dma_semaphore, #tpu.memory_space<semaphore_mem>>
      %dma_start3A_295 = tpu.memref_slice %arg4[%add3A_6] : memref<262144xi32, #tpu.memory_space<hbm>> -> memref<2048xi32, #tpu.memory_space<hbm>>
      %dma_start3A_296 = tpu.memref_slice %arg4[%add3A_6] : memref<262144xi32, #tpu.memory_space<hbm>> -> memref<2048xi32, #tpu.memory_space<hbm>>
      tpu.enqueue_dma source(%dma_start3A_296 : memref<2048xi32, #tpu.memory_space<hbm>>) target(%arg9 : memref<2048xi32, #tpu.memory_space<vmem>>) target_semaphore(%run_scoped3A : memref<!tpu.dma_semaphore, #tpu.memory_space<semaphore_mem>>)
      %dma_wait3A_297 = tpu.memref_slice %arg4[%add3A_6] : memref<262144xi32, #tpu.memory_space<hbm>> -> memref<2048xi32, #tpu.memory_space<hbm>>
      %dma_wait3A_298 = tpu.memref_slice %arg4[%add3A_6] : memref<262144xi32, #tpu.memory_space<hbm>> -> memref<2048xi32, #tpu.memory_space<hbm>>
      tpu.wait_dma2 semaphore(%run_scoped3A : memref<!tpu.dma_semaphore, #tpu.memory_space<semaphore_mem>>) src(%dma_wait3A_298 : memref<2048xi32, #tpu.memory_space<hbm>>) dst(%arg9 : memref<2048xi32, #tpu.memory_space<vmem>>)
      tpu.yield
    }) : () -> ()
    %add3A_7 = arith.constant 0 : i32
    %add3A_8 = arith.addi %mul3A_2, %add3A_7 : i32
    "tpu.region"() ({
      %run_scoped3A = tpu.sem_alloc : memref<!tpu.dma_semaphore, #tpu.memory_space<semaphore_mem>>
      %dma_start3A_295 = tpu.memref_slice %arg5[%add3A_8] : memref<262144xi32, #tpu.memory_space<hbm>> -> memref<2048xi32, #tpu.memory_space<hbm>>
      %dma_start3A_296 = tpu.memref_slice %arg5[%add3A_8] : memref<262144xi32, #tpu.memory_space<hbm>> -> memref<2048xi32, #tpu.memory_space<hbm>>
      tpu.enqueue_dma source(%dma_start3A_296 : memref<2048xi32, #tpu.memory_space<hbm>>) target(%arg10 : memref<2048xi32, #tpu.memory_space<vmem>>) target_semaphore(%run_scoped3A : memref<!tpu.dma_semaphore, #tpu.memory_space<semaphore_mem>>)
      %dma_wait3A_297 = tpu.memref_slice %arg5[%add3A_8] : memref<262144xi32, #tpu.memory_space<hbm>> -> memref<2048xi32, #tpu.memory_space<hbm>>
      %dma_wait3A_298 = tpu.memref_slice %arg5[%add3A_8] : memref<262144xi32, #tpu.memory_space<hbm>> -> memref<2048xi32, #tpu.memory_space<hbm>>
      tpu.wait_dma2 semaphore(%run_scoped3A : memref<!tpu.dma_semaphore, #tpu.memory_space<semaphore_mem>>) src(%dma_wait3A_298 : memref<2048xi32, #tpu.memory_space<hbm>>) dst(%arg10 : memref<2048xi32, #tpu.memory_space<vmem>>)
      tpu.yield
    }) : () -> ()
    %scan3A = arith.constant 0 : i32
    %scan3A_9 = arith.constant 0 : i32
    %scan3A_10 = arith.constant 128 : i32
    %scan3A_11 = arith.addi %scan3A_9, %scan3A_10 : i32
    %scan3A_12 = arith.constant 1 : i32
    %scan3A_13 = scf.for %scan3A_295 = %scan3A_9 to %scan3A_11 step %scan3A_12 iter_args(%scan3A_296 = %scan3A) -> (i32)  : i32 {
      %mul3A_297 = arith.constant 16 : i32
      %mul3A_298 = arith.muli %scan3A_295, %mul3A_297 : i32
      %get3A = arith.index_cast %mul3A_298 : i32 to index
      %get3A_299 = tpu.vector_load %arg8[%get3A] {strides = array<i32>} : memref<2048xi32, #tpu.memory_space<vmem>>, vector<16xi32>,
      %get3A_300 = vector.shape_cast %get3A_299 : vector<16xi32> to vector<16xi32>
      %mul3A_301 = arith.constant 16 : i32
      %mul3A_302 = arith.muli %scan3A_295, %mul3A_301 : i32
      %get3A_303 = arith.index_cast %mul3A_302 : i32 to index
      %get3A_304 = tpu.vector_load %arg9[%get3A_303] {strides = array<i32>} : memref<2048xi32, #tpu.memory_space<vmem>>, vector<16xi32>,
      %get3A_305 = vector.shape_cast %get3A_304 : vector<16xi32> to vector<16xi32>
      %mul3A_306 = arith.constant 16 : i32
      %mul3A_307 = arith.muli %scan3A_295, %mul3A_306 : i32
      %get3A_308 = arith.index_cast %mul3A_307 : i32 to index
      %get3A_309 = tpu.vector_load %arg10[%get3A_308] {strides = array<i32>} : memref<2048xi32, #tpu.memory_space<vmem>>, vector<16xi32>,
      %get3A_310 = vector.shape_cast %get3A_309 : vector<16xi32> to vector<16xi32>
      %mul3A_311 = arith.constant 128 : i32
      %mul3A_312 = arith.muli %add3A, %mul3A_311 : i32
      %add3A_313 = arith.constant 90000 : i32
      %add3A_314 = arith.addi %add3A_313, %mul3A_312 : i32
      %mul3A_315 = arith.constant 16 : i32
      %mul3A_316 = arith.muli %scan3A_295, %mul3A_315 : i32
      %iota3A = tpu.iota {dimensions = array<i32: 0>} : vector<16xi32>
      %add3A_317 = vector.broadcast %mul3A_316 : i32 to vector<16xi32>
      %add3A_318 = arith.addi %add3A_317, %iota3A : vector<16xi32>
      %and3A = arith.constant 127 : i32
      %and3A_319 = vector.broadcast %and3A : i32 to vector<16xi32>
      %and3A_320 = arith.andi %add3A_318, %and3A_319 : vector<16xi32>
      %add3A_321 = vector.broadcast %add3A_314 : i32 to vector<16xi32>
      %add3A_322 = arith.addi %add3A_321, %and3A_320 : vector<16xi32>
      %ne3A = arith.constant 0 : i32
      %ne3A_323 = vector.broadcast %ne3A : i32 to vector<16xi32>
      %ne3A_324 = arith.cmpi ne, %get3A_310, %ne3A_323 : vector<16xi32>
      %mul3A_325 = arith.constant 400 : i32
      %mul3A_326 = vector.broadcast %mul3A_325 : i32 to vector<16xi32>
      %mul3A_327 = arith.muli %get3A_305, %mul3A_326 : vector<16xi32>
      %add3A_328 = arith.addi %mul3A_327, %get3A_300 : vector<16xi32>
      %select_n3A = arith.select %ne3A_324, %add3A_328, %add3A_322 : vector<16xi1>, vector<16xi32>
      %mul3A_329 = arith.constant 16 : i32
      %mul3A_330 = arith.muli %scan3A_295, %mul3A_329 : i32
      %add3A_331 = arith.constant 0 : i32
      %add3A_332 = arith.addi %add3A_331, %mul3A_330 : i32
      %swap3A = arith.index_cast %add3A_332 : i32 to index
      %swap3A_333 = tpu.vector_load %arg11[%swap3A] {strides = array<i32>} : memref<8192xi32, #tpu.memory_space<vmem>>, vector<16xi32>,
      %swap3A_334 = vector.shape_cast %swap3A_333 : vector<16xi32> to vector<16xi32>
      %swap3A_335 = vector.shape_cast %select_n3A : vector<16xi32> to vector<16xi32>
      tpu.vector_store %arg11[%swap3A], %swap3A_335 {strides = array<i32>} : memref<8192xi32, #tpu.memory_space<vmem>>, vector<16xi32>,
      %scan3A_336 = arith.constant 0 : i32
      scf.yield %scan3A_336 : i32
    }
    %scan3A_14 = arith.constant 128 : i32
    %add3A_15 = arith.constant 2048 : i32
    %add3A_16 = arith.addi %mul3A_2, %add3A_15 : i32
    "tpu.region"() ({
      %run_scoped3A = tpu.sem_alloc : memref<!tpu.dma_semaphore, #tpu.memory_space<semaphore_mem>>
      %dma_start3A_295 = tpu.memref_slice %arg3[%add3A_16] : memref<262144xi32, #tpu.memory_space<hbm>> -> memref<2048xi32, #tpu.memory_space<hbm>>
      %dma_start3A_296 = tpu.memref_slice %arg3[%add3A_16] : memref<262144xi32, #tpu.memory_space<hbm>> -> memref<2048xi32, #tpu.memory_space<hbm>>
      tpu.enqueue_dma source(%dma_start3A_296 : memref<2048xi32, #tpu.memory_space<hbm>>) target(%arg8 : memref<2048xi32, #tpu.memory_space<vmem>>) target_semaphore(%run_scoped3A : memref<!tpu.dma_semaphore, #tpu.memory_space<semaphore_mem>>)
      %dma_wait3A_297 = tpu.memref_slice %arg3[%add3A_16] : memref<262144xi32, #tpu.memory_space<hbm>> -> memref<2048xi32, #tpu.memory_space<hbm>>
      %dma_wait3A_298 = tpu.memref_slice %arg3[%add3A_16] : memref<262144xi32, #tpu.memory_space<hbm>> -> memref<2048xi32, #tpu.memory_space<hbm>>
      tpu.wait_dma2 semaphore(%run_scoped3A : memref<!tpu.dma_semaphore, #tpu.memory_space<semaphore_mem>>) src(%dma_wait3A_298 : memref<2048xi32, #tpu.memory_space<hbm>>) dst(%arg8 : memref<2048xi32, #tpu.memory_space<vmem>>)
      tpu.yield
    }) : () -> ()
    %add3A_17 = arith.constant 2048 : i32
    %add3A_18 = arith.addi %mul3A_2, %add3A_17 : i32
    "tpu.region"() ({
      %run_scoped3A = tpu.sem_alloc : memref<!tpu.dma_semaphore, #tpu.memory_space<semaphore_mem>>
      %dma_start3A_295 = tpu.memref_slice %arg4[%add3A_18] : memref<262144xi32, #tpu.memory_space<hbm>> -> memref<2048xi32, #tpu.memory_space<hbm>>
      %dma_start3A_296 = tpu.memref_slice %arg4[%add3A_18] : memref<262144xi32, #tpu.memory_space<hbm>> -> memref<2048xi32, #tpu.memory_space<hbm>>
      tpu.enqueue_dma source(%dma_start3A_296 : memref<2048xi32, #tpu.memory_space<hbm>>) target(%arg9 : memref<2048xi32, #tpu.memory_space<vmem>>) target_semaphore(%run_scoped3A : memref<!tpu.dma_semaphore, #tpu.memory_space<semaphore_mem>>)
      %dma_wait3A_297 = tpu.memref_slice %arg4[%add3A_18] : memref<262144xi32, #tpu.memory_space<hbm>> -> memref<2048xi32, #tpu.memory_space<hbm>>
      %dma_wait3A_298 = tpu.memref_slice %arg4[%add3A_18] : memref<262144xi32, #tpu.memory_space<hbm>> -> memref<2048xi32, #tpu.memory_space<hbm>>
      tpu.wait_dma2 semaphore(%run_scoped3A : memref<!tpu.dma_semaphore, #tpu.memory_space<semaphore_mem>>) src(%dma_wait3A_298 : memref<2048xi32, #tpu.memory_space<hbm>>) dst(%arg9 : memref<2048xi32, #tpu.memory_space<vmem>>)
      tpu.yield
    }) : () -> ()
    %add3A_19 = arith.constant 2048 : i32
    %add3A_20 = arith.addi %mul3A_2, %add3A_19 : i32
    "tpu.region"() ({
      %run_scoped3A = tpu.sem_alloc : memref<!tpu.dma_semaphore, #tpu.memory_space<semaphore_mem>>
      %dma_start3A_295 = tpu.memref_slice %arg5[%add3A_20] : memref<262144xi32, #tpu.memory_space<hbm>> -> memref<2048xi32, #tpu.memory_space<hbm>>
      %dma_start3A_296 = tpu.memref_slice %arg5[%add3A_20] : memref<262144xi32, #tpu.memory_space<hbm>> -> memref<2048xi32, #tpu.memory_space<hbm>>
      tpu.enqueue_dma source(%dma_start3A_296 : memref<2048xi32, #tpu.memory_space<hbm>>) target(%arg10 : memref<2048xi32, #tpu.memory_space<vmem>>) target_semaphore(%run_scoped3A : memref<!tpu.dma_semaphore, #tpu.memory_space<semaphore_mem>>)
      %dma_wait3A_297 = tpu.memref_slice %arg5[%add3A_20] : memref<262144xi32, #tpu.memory_space<hbm>> -> memref<2048xi32, #tpu.memory_space<hbm>>
      %dma_wait3A_298 = tpu.memref_slice %arg5[%add3A_20] : memref<262144xi32, #tpu.memory_space<hbm>> -> memref<2048xi32, #tpu.memory_space<hbm>>
      tpu.wait_dma2 semaphore(%run_scoped3A : memref<!tpu.dma_semaphore, #tpu.memory_space<semaphore_mem>>) src(%dma_wait3A_298 : memref<2048xi32, #tpu.memory_space<hbm>>) dst(%arg10 : memref<2048xi32, #tpu.memory_space<vmem>>)
      tpu.yield
    }) : () -> ()
    %scan3A_21 = arith.constant 0 : i32
    %scan3A_22 = arith.constant 0 : i32
    %scan3A_23 = arith.constant 128 : i32
    %scan3A_24 = arith.addi %scan3A_22, %scan3A_23 : i32
    %scan3A_25 = arith.constant 1 : i32
    %scan3A_26 = scf.for %scan3A_295 = %scan3A_22 to %scan3A_24 step %scan3A_25 iter_args(%scan3A_296 = %scan3A_21) -> (i32)  : i32 {
      %mul3A_297 = arith.constant 16 : i32
      %mul3A_298 = arith.muli %scan3A_295, %mul3A_297 : i32
      %get3A = arith.index_cast %mul3A_298 : i32 to index
      %get3A_299 = tpu.vector_load %arg8[%get3A] {strides = array<i32>} : memref<2048xi32, #tpu.memory_space<vmem>>, vector<16xi32>,
      %get3A_300 = vector.shape_cast %get3A_299 : vector<16xi32> to vector<16xi32>
      %mul3A_301 = arith.constant 16 : i32
      %mul3A_302 = arith.muli %scan3A_295, %mul3A_301 : i32
      %get3A_303 = arith.index_cast %mul3A_302 : i32 to index
      %get3A_304 = tpu.vector_load %arg9[%get3A_303] {strides = array<i32>} : memref<2048xi32, #tpu.memory_space<vmem>>, vector<16xi32>,
      %get3A_305 = vector.shape_cast %get3A_304 : vector<16xi32> to vector<16xi32>
      %mul3A_306 = arith.constant 16 : i32
      %mul3A_307 = arith.muli %scan3A_295, %mul3A_306 : i32
      %get3A_308 = arith.index_cast %mul3A_307 : i32 to index
      %get3A_309 = tpu.vector_load %arg10[%get3A_308] {strides = array<i32>} : memref<2048xi32, #tpu.memory_space<vmem>>, vector<16xi32>,
      %get3A_310 = vector.shape_cast %get3A_309 : vector<16xi32> to vector<16xi32>
      %mul3A_311 = arith.constant 128 : i32
      %mul3A_312 = arith.muli %add3A, %mul3A_311 : i32
      %add3A_313 = arith.constant 90000 : i32
      %add3A_314 = arith.addi %add3A_313, %mul3A_312 : i32
      %mul3A_315 = arith.constant 16 : i32
      %mul3A_316 = arith.muli %scan3A_295, %mul3A_315 : i32
      %iota3A = tpu.iota {dimensions = array<i32: 0>} : vector<16xi32>
      %add3A_317 = vector.broadcast %mul3A_316 : i32 to vector<16xi32>
      %add3A_318 = arith.addi %add3A_317, %iota3A : vector<16xi32>
      %and3A = arith.constant 127 : i32
      %and3A_319 = vector.broadcast %and3A : i32 to vector<16xi32>
      %and3A_320 = arith.andi %add3A_318, %and3A_319 : vector<16xi32>
      %add3A_321 = vector.broadcast %add3A_314 : i32 to vector<16xi32>
      %add3A_322 = arith.addi %add3A_321, %and3A_320 : vector<16xi32>
      %ne3A = arith.constant 0 : i32
      %ne3A_323 = vector.broadcast %ne3A : i32 to vector<16xi32>
      %ne3A_324 = arith.cmpi ne, %get3A_310, %ne3A_323 : vector<16xi32>
      %mul3A_325 = arith.constant 400 : i32
      %mul3A_326 = vector.broadcast %mul3A_325 : i32 to vector<16xi32>
      %mul3A_327 = arith.muli %get3A_305, %mul3A_326 : vector<16xi32>
      %add3A_328 = arith.addi %mul3A_327, %get3A_300 : vector<16xi32>
      %select_n3A = arith.select %ne3A_324, %add3A_328, %add3A_322 : vector<16xi1>, vector<16xi32>
      %mul3A_329 = arith.constant 16 : i32
      %mul3A_330 = arith.muli %scan3A_295, %mul3A_329 : i32
      %add3A_331 = arith.constant 2048 : i32
      %add3A_332 = arith.addi %add3A_331, %mul3A_330 : i32
      %swap3A = arith.index_cast %add3A_332 : i32 to index
      %swap3A_333 = tpu.vector_load %arg11[%swap3A] {strides = array<i32>} : memref<8192xi32, #tpu.memory_space<vmem>>, vector<16xi32>,
      %swap3A_334 = vector.shape_cast %swap3A_333 : vector<16xi32> to vector<16xi32>
      %swap3A_335 = vector.shape_cast %select_n3A : vector<16xi32> to vector<16xi32>
      tpu.vector_store %arg11[%swap3A], %swap3A_335 {strides = array<i32>} : memref<8192xi32, #tpu.memory_space<vmem>>, vector<16xi32>,
      %scan3A_336 = arith.constant 0 : i32
      scf.yield %scan3A_336 : i32
    }
    %scan3A_27 = arith.constant 128 : i32
    %add3A_28 = arith.constant 4096 : i32
    %add3A_29 = arith.addi %mul3A_2, %add3A_28 : i32
    "tpu.region"() ({
      %run_scoped3A = tpu.sem_alloc : memref<!tpu.dma_semaphore, #tpu.memory_space<semaphore_mem>>
      %dma_start3A_295 = tpu.memref_slice %arg3[%add3A_29] : memref<262144xi32, #tpu.memory_space<hbm>> -> memref<2048xi32, #tpu.memory_space<hbm>>
      %dma_start3A_296 = tpu.memref_slice %arg3[%add3A_29] : memref<262144xi32, #tpu.memory_space<hbm>> -> memref<2048xi32, #tpu.memory_space<hbm>>
      tpu.enqueue_dma source(%dma_start3A_296 : memref<2048xi32, #tpu.memory_space<hbm>>) target(%arg8 : memref<2048xi32, #tpu.memory_space<vmem>>) target_semaphore(%run_scoped3A : memref<!tpu.dma_semaphore, #tpu.memory_space<semaphore_mem>>)
      %dma_wait3A_297 = tpu.memref_slice %arg3[%add3A_29] : memref<262144xi32, #tpu.memory_space<hbm>> -> memref<2048xi32, #tpu.memory_space<hbm>>
      %dma_wait3A_298 = tpu.memref_slice %arg3[%add3A_29] : memref<262144xi32, #tpu.memory_space<hbm>> -> memref<2048xi32, #tpu.memory_space<hbm>>
      tpu.wait_dma2 semaphore(%run_scoped3A : memref<!tpu.dma_semaphore, #tpu.memory_space<semaphore_mem>>) src(%dma_wait3A_298 : memref<2048xi32, #tpu.memory_space<hbm>>) dst(%arg8 : memref<2048xi32, #tpu.memory_space<vmem>>)
      tpu.yield
    }) : () -> ()
    %add3A_30 = arith.constant 4096 : i32
    %add3A_31 = arith.addi %mul3A_2, %add3A_30 : i32
    "tpu.region"() ({
      %run_scoped3A = tpu.sem_alloc : memref<!tpu.dma_semaphore, #tpu.memory_space<semaphore_mem>>
      %dma_start3A_295 = tpu.memref_slice %arg4[%add3A_31] : memref<262144xi32, #tpu.memory_space<hbm>> -> memref<2048xi32, #tpu.memory_space<hbm>>
      %dma_start3A_296 = tpu.memref_slice %arg4[%add3A_31] : memref<262144xi32, #tpu.memory_space<hbm>> -> memref<2048xi32, #tpu.memory_space<hbm>>
      tpu.enqueue_dma source(%dma_start3A_296 : memref<2048xi32, #tpu.memory_space<hbm>>) target(%arg9 : memref<2048xi32, #tpu.memory_space<vmem>>) target_semaphore(%run_scoped3A : memref<!tpu.dma_semaphore, #tpu.memory_space<semaphore_mem>>)
      %dma_wait3A_297 = tpu.memref_slice %arg4[%add3A_31] : memref<262144xi32, #tpu.memory_space<hbm>> -> memref<2048xi32, #tpu.memory_space<hbm>>
      %dma_wait3A_298 = tpu.memref_slice %arg4[%add3A_31] : memref<262144xi32, #tpu.memory_space<hbm>> -> memref<2048xi32, #tpu.memory_space<hbm>>
      tpu.wait_dma2 semaphore(%run_scoped3A : memref<!tpu.dma_semaphore, #tpu.memory_space<semaphore_mem>>) src(%dma_wait3A_298 : memref<2048xi32, #tpu.memory_space<hbm>>) dst(%arg9 : memref<2048xi32, #tpu.memory_space<vmem>>)
      tpu.yield
    }) : () -> ()
    %add3A_32 = arith.constant 4096 : i32
    %add3A_33 = arith.addi %mul3A_2, %add3A_32 : i32
    "tpu.region"() ({
      %run_scoped3A = tpu.sem_alloc : memref<!tpu.dma_semaphore, #tpu.memory_space<semaphore_mem>>
      %dma_start3A_295 = tpu.memref_slice %arg5[%add3A_33] : memref<262144xi32, #tpu.memory_space<hbm>> -> memref<2048xi32, #tpu.memory_space<hbm>>
      %dma_start3A_296 = tpu.memref_slice %arg5[%add3A_33] : memref<262144xi32, #tpu.memory_space<hbm>> -> memref<2048xi32, #tpu.memory_space<hbm>>
      tpu.enqueue_dma source(%dma_start3A_296 : memref<2048xi32, #tpu.memory_space<hbm>>) target(%arg10 : memref<2048xi32, #tpu.memory_space<vmem>>) target_semaphore(%run_scoped3A : memref<!tpu.dma_semaphore, #tpu.memory_space<semaphore_mem>>)
      %dma_wait3A_297 = tpu.memref_slice %arg5[%add3A_33] : memref<262144xi32, #tpu.memory_space<hbm>> -> memref<2048xi32, #tpu.memory_space<hbm>>
      %dma_wait3A_298 = tpu.memref_slice %arg5[%add3A_33] : memref<262144xi32, #tpu.memory_space<hbm>> -> memref<2048xi32, #tpu.memory_space<hbm>>
      tpu.wait_dma2 semaphore(%run_scoped3A : memref<!tpu.dma_semaphore, #tpu.memory_space<semaphore_mem>>) src(%dma_wait3A_298 : memref<2048xi32, #tpu.memory_space<hbm>>) dst(%arg10 : memref<2048xi32, #tpu.memory_space<vmem>>)
      tpu.yield
    }) : () -> ()
    %scan3A_34 = arith.constant 0 : i32
    %scan3A_35 = arith.constant 0 : i32
    %scan3A_36 = arith.constant 128 : i32
    %scan3A_37 = arith.addi %scan3A_35, %scan3A_36 : i32
    %scan3A_38 = arith.constant 1 : i32
    %scan3A_39 = scf.for %scan3A_295 = %scan3A_35 to %scan3A_37 step %scan3A_38 iter_args(%scan3A_296 = %scan3A_34) -> (i32)  : i32 {
      %mul3A_297 = arith.constant 16 : i32
      %mul3A_298 = arith.muli %scan3A_295, %mul3A_297 : i32
      %get3A = arith.index_cast %mul3A_298 : i32 to index
      %get3A_299 = tpu.vector_load %arg8[%get3A] {strides = array<i32>} : memref<2048xi32, #tpu.memory_space<vmem>>, vector<16xi32>,
      %get3A_300 = vector.shape_cast %get3A_299 : vector<16xi32> to vector<16xi32>
      %mul3A_301 = arith.constant 16 : i32
      %mul3A_302 = arith.muli %scan3A_295, %mul3A_301 : i32
      %get3A_303 = arith.index_cast %mul3A_302 : i32 to index
      %get3A_304 = tpu.vector_load %arg9[%get3A_303] {strides = array<i32>} : memref<2048xi32, #tpu.memory_space<vmem>>, vector<16xi32>,
      %get3A_305 = vector.shape_cast %get3A_304 : vector<16xi32> to vector<16xi32>
      %mul3A_306 = arith.constant 16 : i32
      %mul3A_307 = arith.muli %scan3A_295, %mul3A_306 : i32
      %get3A_308 = arith.index_cast %mul3A_307 : i32 to index
      %get3A_309 = tpu.vector_load %arg10[%get3A_308] {strides = array<i32>} : memref<2048xi32, #tpu.memory_space<vmem>>, vector<16xi32>,
      %get3A_310 = vector.shape_cast %get3A_309 : vector<16xi32> to vector<16xi32>
      %mul3A_311 = arith.constant 128 : i32
      %mul3A_312 = arith.muli %add3A, %mul3A_311 : i32
      %add3A_313 = arith.constant 90000 : i32
      %add3A_314 = arith.addi %add3A_313, %mul3A_312 : i32
      %mul3A_315 = arith.constant 16 : i32
      %mul3A_316 = arith.muli %scan3A_295, %mul3A_315 : i32
      %iota3A = tpu.iota {dimensions = array<i32: 0>} : vector<16xi32>
      %add3A_317 = vector.broadcast %mul3A_316 : i32 to vector<16xi32>
      %add3A_318 = arith.addi %add3A_317, %iota3A : vector<16xi32>
      %and3A = arith.constant 127 : i32
      %and3A_319 = vector.broadcast %and3A : i32 to vector<16xi32>
      %and3A_320 = arith.andi %add3A_318, %and3A_319 : vector<16xi32>
      %add3A_321 = vector.broadcast %add3A_314 : i32 to vector<16xi32>
      %add3A_322 = arith.addi %add3A_321, %and3A_320 : vector<16xi32>
      %ne3A = arith.constant 0 : i32
      %ne3A_323 = vector.broadcast %ne3A : i32 to vector<16xi32>
      %ne3A_324 = arith.cmpi ne, %get3A_310, %ne3A_323 : vector<16xi32>
      %mul3A_325 = arith.constant 400 : i32
      %mul3A_326 = vector.broadcast %mul3A_325 : i32 to vector<16xi32>
      %mul3A_327 = arith.muli %get3A_305, %mul3A_326 : vector<16xi32>
      %add3A_328 = arith.addi %mul3A_327, %get3A_300 : vector<16xi32>
      %select_n3A = arith.select %ne3A_324, %add3A_328, %add3A_322 : vector<16xi1>, vector<16xi32>
      %mul3A_329 = arith.constant 16 : i32
      %mul3A_330 = arith.muli %scan3A_295, %mul3A_329 : i32
      %add3A_331 = arith.constant 4096 : i32
      %add3A_332 = arith.addi %add3A_331, %mul3A_330 : i32
      %swap3A = arith.index_cast %add3A_332 : i32 to index
      %swap3A_333 = tpu.vector_load %arg11[%swap3A] {strides = array<i32>} : memref<8192xi32, #tpu.memory_space<vmem>>, vector<16xi32>,
      %swap3A_334 = vector.shape_cast %swap3A_333 : vector<16xi32> to vector<16xi32>
      %swap3A_335 = vector.shape_cast %select_n3A : vector<16xi32> to vector<16xi32>
      tpu.vector_store %arg11[%swap3A], %swap3A_335 {strides = array<i32>} : memref<8192xi32, #tpu.memory_space<vmem>>, vector<16xi32>,
      %scan3A_336 = arith.constant 0 : i32
      scf.yield %scan3A_336 : i32
    }
    %scan3A_40 = arith.constant 128 : i32
    %add3A_41 = arith.constant 6144 : i32
    %add3A_42 = arith.addi %mul3A_2, %add3A_41 : i32
    "tpu.region"() ({
      %run_scoped3A = tpu.sem_alloc : memref<!tpu.dma_semaphore, #tpu.memory_space<semaphore_mem>>
      %dma_start3A_295 = tpu.memref_slice %arg3[%add3A_42] : memref<262144xi32, #tpu.memory_space<hbm>> -> memref<2048xi32, #tpu.memory_space<hbm>>
      %dma_start3A_296 = tpu.memref_slice %arg3[%add3A_42] : memref<262144xi32, #tpu.memory_space<hbm>> -> memref<2048xi32, #tpu.memory_space<hbm>>
      tpu.enqueue_dma source(%dma_start3A_296 : memref<2048xi32, #tpu.memory_space<hbm>>) target(%arg8 : memref<2048xi32, #tpu.memory_space<vmem>>) target_semaphore(%run_scoped3A : memref<!tpu.dma_semaphore, #tpu.memory_space<semaphore_mem>>)
      %dma_wait3A_297 = tpu.memref_slice %arg3[%add3A_42] : memref<262144xi32, #tpu.memory_space<hbm>> -> memref<2048xi32, #tpu.memory_space<hbm>>
      %dma_wait3A_298 = tpu.memref_slice %arg3[%add3A_42] : memref<262144xi32, #tpu.memory_space<hbm>> -> memref<2048xi32, #tpu.memory_space<hbm>>
      tpu.wait_dma2 semaphore(%run_scoped3A : memref<!tpu.dma_semaphore, #tpu.memory_space<semaphore_mem>>) src(%dma_wait3A_298 : memref<2048xi32, #tpu.memory_space<hbm>>) dst(%arg8 : memref<2048xi32, #tpu.memory_space<vmem>>)
      tpu.yield
    }) : () -> ()
    %add3A_43 = arith.constant 6144 : i32
    %add3A_44 = arith.addi %mul3A_2, %add3A_43 : i32
    "tpu.region"() ({
      %run_scoped3A = tpu.sem_alloc : memref<!tpu.dma_semaphore, #tpu.memory_space<semaphore_mem>>
      %dma_start3A_295 = tpu.memref_slice %arg4[%add3A_44] : memref<262144xi32, #tpu.memory_space<hbm>> -> memref<2048xi32, #tpu.memory_space<hbm>>
      %dma_start3A_296 = tpu.memref_slice %arg4[%add3A_44] : memref<262144xi32, #tpu.memory_space<hbm>> -> memref<2048xi32, #tpu.memory_space<hbm>>
      tpu.enqueue_dma source(%dma_start3A_296 : memref<2048xi32, #tpu.memory_space<hbm>>) target(%arg9 : memref<2048xi32, #tpu.memory_space<vmem>>) target_semaphore(%run_scoped3A : memref<!tpu.dma_semaphore, #tpu.memory_space<semaphore_mem>>)
      %dma_wait3A_297 = tpu.memref_slice %arg4[%add3A_44] : memref<262144xi32, #tpu.memory_space<hbm>> -> memref<2048xi32, #tpu.memory_space<hbm>>
      %dma_wait3A_298 = tpu.memref_slice %arg4[%add3A_44] : memref<262144xi32, #tpu.memory_space<hbm>> -> memref<2048xi32, #tpu.memory_space<hbm>>
      tpu.wait_dma2 semaphore(%run_scoped3A : memref<!tpu.dma_semaphore, #tpu.memory_space<semaphore_mem>>) src(%dma_wait3A_298 : memref<2048xi32, #tpu.memory_space<hbm>>) dst(%arg9 : memref<2048xi32, #tpu.memory_space<vmem>>)
      tpu.yield
    }) : () -> ()
    %add3A_45 = arith.constant 6144 : i32
    %add3A_46 = arith.addi %mul3A_2, %add3A_45 : i32
    "tpu.region"() ({
      %run_scoped3A = tpu.sem_alloc : memref<!tpu.dma_semaphore, #tpu.memory_space<semaphore_mem>>
      %dma_start3A_295 = tpu.memref_slice %arg5[%add3A_46] : memref<262144xi32, #tpu.memory_space<hbm>> -> memref<2048xi32, #tpu.memory_space<hbm>>
      %dma_start3A_296 = tpu.memref_slice %arg5[%add3A_46] : memref<262144xi32, #tpu.memory_space<hbm>> -> memref<2048xi32, #tpu.memory_space<hbm>>
      tpu.enqueue_dma source(%dma_start3A_296 : memref<2048xi32, #tpu.memory_space<hbm>>) target(%arg10 : memref<2048xi32, #tpu.memory_space<vmem>>) target_semaphore(%run_scoped3A : memref<!tpu.dma_semaphore, #tpu.memory_space<semaphore_mem>>)
      %dma_wait3A_297 = tpu.memref_slice %arg5[%add3A_46] : memref<262144xi32, #tpu.memory_space<hbm>> -> memref<2048xi32, #tpu.memory_space<hbm>>
      %dma_wait3A_298 = tpu.memref_slice %arg5[%add3A_46] : memref<262144xi32, #tpu.memory_space<hbm>> -> memref<2048xi32, #tpu.memory_space<hbm>>
      tpu.wait_dma2 semaphore(%run_scoped3A : memref<!tpu.dma_semaphore, #tpu.memory_space<semaphore_mem>>) src(%dma_wait3A_298 : memref<2048xi32, #tpu.memory_space<hbm>>) dst(%arg10 : memref<2048xi32, #tpu.memory_space<vmem>>)
      tpu.yield
    }) : () -> ()
    %scan3A_47 = arith.constant 0 : i32
    %scan3A_48 = arith.constant 0 : i32
    %scan3A_49 = arith.constant 128 : i32
    %scan3A_50 = arith.addi %scan3A_48, %scan3A_49 : i32
    %scan3A_51 = arith.constant 1 : i32
    %scan3A_52 = scf.for %scan3A_295 = %scan3A_48 to %scan3A_50 step %scan3A_51 iter_args(%scan3A_296 = %scan3A_47) -> (i32)  : i32 {
      %mul3A_297 = arith.constant 16 : i32
      %mul3A_298 = arith.muli %scan3A_295, %mul3A_297 : i32
      %get3A = arith.index_cast %mul3A_298 : i32 to index
      %get3A_299 = tpu.vector_load %arg8[%get3A] {strides = array<i32>} : memref<2048xi32, #tpu.memory_space<vmem>>, vector<16xi32>,
      %get3A_300 = vector.shape_cast %get3A_299 : vector<16xi32> to vector<16xi32>
      %mul3A_301 = arith.constant 16 : i32
      %mul3A_302 = arith.muli %scan3A_295, %mul3A_301 : i32
      %get3A_303 = arith.index_cast %mul3A_302 : i32 to index
      %get3A_304 = tpu.vector_load %arg9[%get3A_303] {strides = array<i32>} : memref<2048xi32, #tpu.memory_space<vmem>>, vector<16xi32>,
      %get3A_305 = vector.shape_cast %get3A_304 : vector<16xi32> to vector<16xi32>
      %mul3A_306 = arith.constant 16 : i32
      %mul3A_307 = arith.muli %scan3A_295, %mul3A_306 : i32
      %get3A_308 = arith.index_cast %mul3A_307 : i32 to index
      %get3A_309 = tpu.vector_load %arg10[%get3A_308] {strides = array<i32>} : memref<2048xi32, #tpu.memory_space<vmem>>, vector<16xi32>,
      %get3A_310 = vector.shape_cast %get3A_309 : vector<16xi32> to vector<16xi32>
      %mul3A_311 = arith.constant 128 : i32
      %mul3A_312 = arith.muli %add3A, %mul3A_311 : i32
      %add3A_313 = arith.constant 90000 : i32
      %add3A_314 = arith.addi %add3A_313, %mul3A_312 : i32
      %mul3A_315 = arith.constant 16 : i32
      %mul3A_316 = arith.muli %scan3A_295, %mul3A_315 : i32
      %iota3A = tpu.iota {dimensions = array<i32: 0>} : vector<16xi32>
      %add3A_317 = vector.broadcast %mul3A_316 : i32 to vector<16xi32>
      %add3A_318 = arith.addi %add3A_317, %iota3A : vector<16xi32>
      %and3A = arith.constant 127 : i32
      %and3A_319 = vector.broadcast %and3A : i32 to vector<16xi32>
      %and3A_320 = arith.andi %add3A_318, %and3A_319 : vector<16xi32>
      %add3A_321 = vector.broadcast %add3A_314 : i32 to vector<16xi32>
      %add3A_322 = arith.addi %add3A_321, %and3A_320 : vector<16xi32>
      %ne3A = arith.constant 0 : i32
      %ne3A_323 = vector.broadcast %ne3A : i32 to vector<16xi32>
      %ne3A_324 = arith.cmpi ne, %get3A_310, %ne3A_323 : vector<16xi32>
      %mul3A_325 = arith.constant 400 : i32
      %mul3A_326 = vector.broadcast %mul3A_325 : i32 to vector<16xi32>
      %mul3A_327 = arith.muli %get3A_305, %mul3A_326 : vector<16xi32>
      %add3A_328 = arith.addi %mul3A_327, %get3A_300 : vector<16xi32>
      %select_n3A = arith.select %ne3A_324, %add3A_328, %add3A_322 : vector<16xi1>, vector<16xi32>
      %mul3A_329 = arith.constant 16 : i32
      %mul3A_330 = arith.muli %scan3A_295, %mul3A_329 : i32
      %add3A_331 = arith.constant 6144 : i32
      %add3A_332 = arith.addi %add3A_331, %mul3A_330 : i32
      %swap3A = arith.index_cast %add3A_332 : i32 to index
      %swap3A_333 = tpu.vector_load %arg11[%swap3A] {strides = array<i32>} : memref<8192xi32, #tpu.memory_space<vmem>>, vector<16xi32>,
      %swap3A_334 = vector.shape_cast %swap3A_333 : vector<16xi32> to vector<16xi32>
      %swap3A_335 = vector.shape_cast %select_n3A : vector<16xi32> to vector<16xi32>
      tpu.vector_store %arg11[%swap3A], %swap3A_335 {strides = array<i32>} : memref<8192xi32, #tpu.memory_space<vmem>>, vector<16xi32>,
      %scan3A_336 = arith.constant 0 : i32
      scf.yield %scan3A_336 : i32
    }
    %scan3A_53 = arith.constant 128 : i32
    "tpu.trace_stop"() : () -> ()
    "tpu.trace_start"() <{level = 10 : i32, message = "gather_phase"}> : () -> ()
    %dma_start3A = arith.constant 0 : i32
    %dma_start3A_54 = tpu.memref_slice %arg11[%dma_start3A] : memref<8192xi32, #tpu.memory_space<vmem>> -> memref<128xi32, #tpu.memory_space<vmem>>
    %dma_start3A_55 = arith.constant 0 : i32
    %dma_start3A_56 = arith.constant 0 : i32
    %dma_start3A_57 = tpu.memref_slice %arg2[%dma_start3A_55, %dma_start3A_56] : memref<96000x208xf32, #tpu.memory_space<hbm>> -> memref<96000x208xf32, #tpu.memory_space<hbm>>
    tpu.enqueue_indirect_dma source(%dma_start3A_57 : memref<96000x208xf32, #tpu.memory_space<hbm>>) target(%arg12 : memref<128x208xf32, #tpu.memory_space<vmem>>) offsets(%dma_start3A_54 : memref<128xi32, #tpu.memory_space<vmem>>) semaphore(%arg16 : memref<!tpu.dma_semaphore, #tpu.memory_space<semaphore_mem>>)
    %dma_start3A_58 = arith.constant 128 : i32
    %dma_start3A_59 = tpu.memref_slice %arg11[%dma_start3A_58] : memref<8192xi32, #tpu.memory_space<vmem>> -> memref<128xi32, #tpu.memory_space<vmem>>
    %dma_start3A_60 = arith.constant 0 : i32
    %dma_start3A_61 = arith.constant 0 : i32
    %dma_start3A_62 = tpu.memref_slice %arg2[%dma_start3A_60, %dma_start3A_61] : memref<96000x208xf32, #tpu.memory_space<hbm>> -> memref<96000x208xf32, #tpu.memory_space<hbm>>
    tpu.enqueue_indirect_dma source(%dma_start3A_62 : memref<96000x208xf32, #tpu.memory_space<hbm>>) target(%arg13 : memref<128x208xf32, #tpu.memory_space<vmem>>) offsets(%dma_start3A_59 : memref<128xi32, #tpu.memory_space<vmem>>) semaphore(%arg17 : memref<!tpu.dma_semaphore, #tpu.memory_space<semaphore_mem>>)
    %dma_start3A_63 = arith.constant 256 : i32
    %dma_start3A_64 = tpu.memref_slice %arg11[%dma_start3A_63] : memref<8192xi32, #tpu.memory_space<vmem>> -> memref<128xi32, #tpu.memory_space<vmem>>
    %dma_start3A_65 = arith.constant 0 : i32
    %dma_start3A_66 = arith.constant 0 : i32
    %dma_start3A_67 = tpu.memref_slice %arg2[%dma_start3A_65, %dma_start3A_66] : memref<96000x208xf32, #tpu.memory_space<hbm>> -> memref<96000x208xf32, #tpu.memory_space<hbm>>
    tpu.enqueue_indirect_dma source(%dma_start3A_67 : memref<96000x208xf32, #tpu.memory_space<hbm>>) target(%arg14 : memref<128x208xf32, #tpu.memory_space<vmem>>) offsets(%dma_start3A_64 : memref<128xi32, #tpu.memory_space<vmem>>) semaphore(%arg18 : memref<!tpu.dma_semaphore, #tpu.memory_space<semaphore_mem>>)
    %dma_wait3A = arith.constant 0 : i32
    %dma_wait3A_68 = arith.constant 0 : i32
    %dma_wait3A_69 = tpu.memref_slice %arg2[%dma_wait3A, %dma_wait3A_68] : memref<96000x208xf32, #tpu.memory_space<hbm>> -> memref<128x208xf32, #tpu.memory_space<hbm>>
    %dma_wait3A_70 = arith.constant 0 : i32
    %dma_wait3A_71 = arith.constant 0 : i32
    %dma_wait3A_72 = tpu.memref_slice %arg2[%dma_wait3A_70, %dma_wait3A_71] : memref<96000x208xf32, #tpu.memory_space<hbm>> -> memref<128x208xf32, #tpu.memory_space<hbm>>
    tpu.wait_dma2 semaphore(%arg16 : memref<!tpu.dma_semaphore, #tpu.memory_space<semaphore_mem>>) src(%dma_wait3A_72 : memref<128x208xf32, #tpu.memory_space<hbm>>) dst(%arg12 : memref<128x208xf32, #tpu.memory_space<vmem>>)
    %add3A_73 = arith.constant 0 : i32
    %add3A_74 = arith.addi %mul3A_2, %add3A_73 : i32
    %dma_start3A_75 = arith.constant 0 : i32
    %dma_start3A_76 = arith.constant 0 : i32
    %dma_start3A_77 = tpu.memref_slice %arg12[%dma_start3A_75, %dma_start3A_76] : memref<128x208xf32, #tpu.memory_space<vmem>> -> memref<128x128xf32, #tpu.memory_space<vmem>>
    %dma_start3A_78 = arith.constant 0 : i32
    %dma_start3A_79 = tpu.memref_slice %arg6[%add3A_74, %dma_start3A_78] : memref<262144x128xf32, #tpu.memory_space<hbm>> -> memref<128x128xf32, #tpu.memory_space<hbm>>
    %dma_start3A_80 = arith.constant 0 : i32
    %dma_start3A_81 = tpu.memref_slice %arg6[%add3A_74, %dma_start3A_80] : memref<262144x128xf32, #tpu.memory_space<hbm>> -> memref<128x128xf32, #tpu.memory_space<hbm>>
    %dma_start3A_82 = arith.constant 0 : i32
    %dma_start3A_83 = arith.constant 0 : i32
    %dma_start3A_84 = tpu.memref_slice %arg12[%dma_start3A_82, %dma_start3A_83] : memref<128x208xf32, #tpu.memory_space<vmem>> -> memref<128x128xf32, #tpu.memory_space<vmem>>
    tpu.enqueue_dma source(%dma_start3A_84 : memref<128x128xf32, #tpu.memory_space<vmem>>) target(%dma_start3A_81 : memref<128x128xf32, #tpu.memory_space<hbm>>) target_semaphore(%arg20 : memref<!tpu.dma_semaphore, #tpu.memory_space<semaphore_mem>>)
    %add3A_85 = arith.constant 0 : i32
    %add3A_86 = arith.addi %mul3A_2, %add3A_85 : i32
    %dma_start3A_87 = arith.constant 0 : i32
    %dma_start3A_88 = arith.constant 80 : i32
    %dma_start3A_89 = tpu.memref_slice %arg12[%dma_start3A_87, %dma_start3A_88] : memref<128x208xf32, #tpu.memory_space<vmem>> -> memref<128x128xf32, #tpu.memory_space<vmem>>
    %dma_start3A_90 = arith.constant 0 : i32
    %dma_start3A_91 = tpu.memref_slice %arg7[%add3A_86, %dma_start3A_90] : memref<262144x128xf32, #tpu.memory_space<hbm>> -> memref<128x128xf32, #tpu.memory_space<hbm>>
    %dma_start3A_92 = arith.constant 0 : i32
    %dma_start3A_93 = tpu.memref_slice %arg7[%add3A_86, %dma_start3A_92] : memref<262144x128xf32, #tpu.memory_space<hbm>> -> memref<128x128xf32, #tpu.memory_space<hbm>>
    %dma_start3A_94 = arith.constant 0 : i32
    %dma_start3A_95 = arith.constant 80 : i32
    %dma_start3A_96 = tpu.memref_slice %arg12[%dma_start3A_94, %dma_start3A_95] : memref<128x208xf32, #tpu.memory_space<vmem>> -> memref<128x128xf32, #tpu.memory_space<vmem>>
    tpu.enqueue_dma source(%dma_start3A_96 : memref<128x128xf32, #tpu.memory_space<vmem>>) target(%dma_start3A_93 : memref<128x128xf32, #tpu.memory_space<hbm>>) target_semaphore(%arg24 : memref<!tpu.dma_semaphore, #tpu.memory_space<semaphore_mem>>)
    %dma_start3A_97 = arith.constant 384 : i32
    %dma_start3A_98 = tpu.memref_slice %arg11[%dma_start3A_97] : memref<8192xi32, #tpu.memory_space<vmem>> -> memref<128xi32, #tpu.memory_space<vmem>>
    %dma_start3A_99 = arith.constant 0 : i32
    %dma_start3A_100 = arith.constant 0 : i32
    %dma_start3A_101 = tpu.memref_slice %arg2[%dma_start3A_99, %dma_start3A_100] : memref<96000x208xf32, #tpu.memory_space<hbm>> -> memref<96000x208xf32, #tpu.memory_space<hbm>>
    tpu.enqueue_indirect_dma source(%dma_start3A_101 : memref<96000x208xf32, #tpu.memory_space<hbm>>) target(%arg15 : memref<128x208xf32, #tpu.memory_space<vmem>>) offsets(%dma_start3A_98 : memref<128xi32, #tpu.memory_space<vmem>>) semaphore(%arg19 : memref<!tpu.dma_semaphore, #tpu.memory_space<semaphore_mem>>)
    %dma_wait3A_102 = arith.constant 0 : i32
    %dma_wait3A_103 = arith.constant 0 : i32
    %dma_wait3A_104 = tpu.memref_slice %arg2[%dma_wait3A_102, %dma_wait3A_103] : memref<96000x208xf32, #tpu.memory_space<hbm>> -> memref<128x208xf32, #tpu.memory_space<hbm>>
    %dma_wait3A_105 = arith.constant 0 : i32
    %dma_wait3A_106 = arith.constant 0 : i32
    %dma_wait3A_107 = tpu.memref_slice %arg2[%dma_wait3A_105, %dma_wait3A_106] : memref<96000x208xf32, #tpu.memory_space<hbm>> -> memref<128x208xf32, #tpu.memory_space<hbm>>
    tpu.wait_dma2 semaphore(%arg17 : memref<!tpu.dma_semaphore, #tpu.memory_space<semaphore_mem>>) src(%dma_wait3A_107 : memref<128x208xf32, #tpu.memory_space<hbm>>) dst(%arg13 : memref<128x208xf32, #tpu.memory_space<vmem>>)
    %add3A_108 = arith.constant 128 : i32
    %add3A_109 = arith.addi %mul3A_2, %add3A_108 : i32
    %dma_start3A_110 = arith.constant 0 : i32
    %dma_start3A_111 = arith.constant 0 : i32
    %dma_start3A_112 = tpu.memref_slice %arg13[%dma_start3A_110, %dma_start3A_111] : memref<128x208xf32, #tpu.memory_space<vmem>> -> memref<128x128xf32, #tpu.memory_space<vmem>>
    %dma_start3A_113 = arith.constant 0 : i32
    %dma_start3A_114 = tpu.memref_slice %arg6[%add3A_109, %dma_start3A_113] : memref<262144x128xf32, #tpu.memory_space<hbm>> -> memref<128x128xf32, #tpu.memory_space<hbm>>
    %dma_start3A_115 = arith.constant 0 : i32
    %dma_start3A_116 = tpu.memref_slice %arg6[%add3A_109, %dma_start3A_115] : memref<262144x128xf32, #tpu.memory_space<hbm>> -> memref<128x128xf32, #tpu.memory_space<hbm>>
    %dma_start3A_117 = arith.constant 0 : i32
    %dma_start3A_118 = arith.constant 0 : i32
    %dma_start3A_119 = tpu.memref_slice %arg13[%dma_start3A_117, %dma_start3A_118] : memref<128x208xf32, #tpu.memory_space<vmem>> -> memref<128x128xf32, #tpu.memory_space<vmem>>
    tpu.enqueue_dma source(%dma_start3A_119 : memref<128x128xf32, #tpu.memory_space<vmem>>) target(%dma_start3A_116 : memref<128x128xf32, #tpu.memory_space<hbm>>) target_semaphore(%arg21 : memref<!tpu.dma_semaphore, #tpu.memory_space<semaphore_mem>>)
    %add3A_120 = arith.constant 128 : i32
    %add3A_121 = arith.addi %mul3A_2, %add3A_120 : i32
    %dma_start3A_122 = arith.constant 0 : i32
    %dma_start3A_123 = arith.constant 80 : i32
    %dma_start3A_124 = tpu.memref_slice %arg13[%dma_start3A_122, %dma_start3A_123] : memref<128x208xf32, #tpu.memory_space<vmem>> -> memref<128x128xf32, #tpu.memory_space<vmem>>
    %dma_start3A_125 = arith.constant 0 : i32
    %dma_start3A_126 = tpu.memref_slice %arg7[%add3A_121, %dma_start3A_125] : memref<262144x128xf32, #tpu.memory_space<hbm>> -> memref<128x128xf32, #tpu.memory_space<hbm>>
    %dma_start3A_127 = arith.constant 0 : i32
    %dma_start3A_128 = tpu.memref_slice %arg7[%add3A_121, %dma_start3A_127] : memref<262144x128xf32, #tpu.memory_space<hbm>> -> memref<128x128xf32, #tpu.memory_space<hbm>>
    %dma_start3A_129 = arith.constant 0 : i32
    %dma_start3A_130 = arith.constant 80 : i32
    %dma_start3A_131 = tpu.memref_slice %arg13[%dma_start3A_129, %dma_start3A_130] : memref<128x208xf32, #tpu.memory_space<vmem>> -> memref<128x128xf32, #tpu.memory_space<vmem>>
    tpu.enqueue_dma source(%dma_start3A_131 : memref<128x128xf32, #tpu.memory_space<vmem>>) target(%dma_start3A_128 : memref<128x128xf32, #tpu.memory_space<hbm>>) target_semaphore(%arg25 : memref<!tpu.dma_semaphore, #tpu.memory_space<semaphore_mem>>)
    %scan3A_132 = arith.constant 0 : i32
    %scan3A_133 = arith.constant 1 : i32
    %scan3A_134 = arith.constant 15 : i32
    %scan3A_135 = arith.addi %scan3A_133, %scan3A_134 : i32
    %scan3A_136 = arith.constant 1 : i32
    %scan3A_137 = scf.for %scan3A_295 = %scan3A_133 to %scan3A_135 step %scan3A_136 iter_args(%scan3A_296 = %scan3A_132) -> (i32)  : i32 {
      %mul3A_297 = arith.constant 4 : i32
      %mul3A_298 = arith.muli %mul3A_297, %scan3A_295 : i32
      %add3A_299 = arith.constant 0 : i32
      %add3A_300 = arith.addi %mul3A_298, %add3A_299 : i32
      %dma_wait3A_301 = arith.constant 0 : i32
      %dma_wait3A_302 = arith.constant 0 : i32
      %dma_wait3A_303 = tpu.memref_slice %arg12[%dma_wait3A_301, %dma_wait3A_302] : memref<128x208xf32, #tpu.memory_space<vmem>> -> memref<128x128xf32, #tpu.memory_space<vmem>>
      %dma_wait3A_304 = arith.constant 0 : i32
      %dma_wait3A_305 = arith.constant 0 : i32
      %dma_wait3A_306 = tpu.memref_slice %arg6[%dma_wait3A_304, %dma_wait3A_305] : memref<262144x128xf32, #tpu.memory_space<hbm>> -> memref<128x128xf32, #tpu.memory_space<hbm>>
      %dma_wait3A_307 = arith.constant 0 : i32
      %dma_wait3A_308 = arith.constant 0 : i32
      %dma_wait3A_309 = tpu.memref_slice %arg6[%dma_wait3A_307, %dma_wait3A_308] : memref<262144x128xf32, #tpu.memory_space<hbm>> -> memref<128x128xf32, #tpu.memory_space<hbm>>
      %dma_wait3A_310 = arith.constant 0 : i32
      %dma_wait3A_311 = arith.constant 0 : i32
      %dma_wait3A_312 = tpu.memref_slice %arg12[%dma_wait3A_310, %dma_wait3A_311] : memref<128x208xf32, #tpu.memory_space<vmem>> -> memref<128x128xf32, #tpu.memory_space<vmem>>
      tpu.wait_dma2 semaphore(%arg20 : memref<!tpu.dma_semaphore, #tpu.memory_space<semaphore_mem>>) src(%dma_wait3A_312 : memref<128x128xf32, #tpu.memory_space<vmem>>) dst(%dma_wait3A_309 : memref<128x128xf32, #tpu.memory_space<hbm>>)
      %dma_wait3A_313 = arith.constant 0 : i32
      %dma_wait3A_314 = arith.constant 80 : i32
      %dma_wait3A_315 = tpu.memref_slice %arg12[%dma_wait3A_313, %dma_wait3A_314] : memref<128x208xf32, #tpu.memory_space<vmem>> -> memref<128x128xf32, #tpu.memory_space<vmem>>
      %dma_wait3A_316 = arith.constant 0 : i32
      %dma_wait3A_317 = arith.constant 0 : i32
      %dma_wait3A_318 = tpu.memref_slice %arg7[%dma_wait3A_316, %dma_wait3A_317] : memref<262144x128xf32, #tpu.memory_space<hbm>> -> memref<128x128xf32, #tpu.memory_space<hbm>>
      %dma_wait3A_319 = arith.constant 0 : i32
      %dma_wait3A_320 = arith.constant 0 : i32
      %dma_wait3A_321 = tpu.memref_slice %arg7[%dma_wait3A_319, %dma_wait3A_320] : memref<262144x128xf32, #tpu.memory_space<hbm>> -> memref<128x128xf32, #tpu.memory_space<hbm>>
      %dma_wait3A_322 = arith.constant 0 : i32
      %dma_wait3A_323 = arith.constant 80 : i32
      %dma_wait3A_324 = tpu.memref_slice %arg12[%dma_wait3A_322, %dma_wait3A_323] : memref<128x208xf32, #tpu.memory_space<vmem>> -> memref<128x128xf32, #tpu.memory_space<vmem>>
      tpu.wait_dma2 semaphore(%arg24 : memref<!tpu.dma_semaphore, #tpu.memory_space<semaphore_mem>>) src(%dma_wait3A_324 : memref<128x128xf32, #tpu.memory_space<vmem>>) dst(%dma_wait3A_321 : memref<128x128xf32, #tpu.memory_space<hbm>>)
      %mul3A_325 = arith.constant 128 : i32
      %mul3A_326 = arith.muli %add3A_300, %mul3A_325 : i32
      %dma_start3A_327 = tpu.memref_slice %arg11[%mul3A_326] : memref<8192xi32, #tpu.memory_space<vmem>> -> memref<128xi32, #tpu.memory_space<vmem>>
      %dma_start3A_328 = arith.constant 0 : i32
      %dma_start3A_329 = arith.constant 0 : i32
      %dma_start3A_330 = tpu.memref_slice %arg2[%dma_start3A_328, %dma_start3A_329] : memref<96000x208xf32, #tpu.memory_space<hbm>> -> memref<96000x208xf32, #tpu.memory_space<hbm>>
      tpu.enqueue_indirect_dma source(%dma_start3A_330 : memref<96000x208xf32, #tpu.memory_space<hbm>>) target(%arg12 : memref<128x208xf32, #tpu.memory_space<vmem>>) offsets(%dma_start3A_327 : memref<128xi32, #tpu.memory_space<vmem>>) semaphore(%arg16 : memref<!tpu.dma_semaphore, #tpu.memory_space<semaphore_mem>>)
      %dma_wait3A_331 = arith.constant 0 : i32
      %dma_wait3A_332 = arith.constant 0 : i32
      %dma_wait3A_333 = tpu.memref_slice %arg2[%dma_wait3A_331, %dma_wait3A_332] : memref<96000x208xf32, #tpu.memory_space<hbm>> -> memref<128x208xf32, #tpu.memory_space<hbm>>
      %dma_wait3A_334 = arith.constant 0 : i32
      %dma_wait3A_335 = arith.constant 0 : i32
      %dma_wait3A_336 = tpu.memref_slice %arg2[%dma_wait3A_334, %dma_wait3A_335] : memref<96000x208xf32, #tpu.memory_space<hbm>> -> memref<128x208xf32, #tpu.memory_space<hbm>>
      tpu.wait_dma2 semaphore(%arg18 : memref<!tpu.dma_semaphore, #tpu.memory_space<semaphore_mem>>) src(%dma_wait3A_336 : memref<128x208xf32, #tpu.memory_space<hbm>>) dst(%arg14 : memref<128x208xf32, #tpu.memory_space<vmem>>)
      %sub3A = arith.constant 2 : i32
      %sub3A_337 = arith.subi %add3A_300, %sub3A : i32
      %mul3A_338 = arith.constant 128 : i32
      %mul3A_339 = arith.muli %sub3A_337, %mul3A_338 : i32
      %add3A_340 = arith.addi %mul3A_2, %mul3A_339 : i32
      %dma_start3A_341 = arith.constant 0 : i32
      %dma_start3A_342 = arith.constant 0 : i32
      %dma_start3A_343 = tpu.memref_slice %arg14[%dma_start3A_341, %dma_start3A_342] : memref<128x208xf32, #tpu.memory_space<vmem>> -> memref<128x128xf32, #tpu.memory_space<vmem>>
      %dma_start3A_344 = arith.constant 0 : i32
      %dma_start3A_345 = tpu.memref_slice %arg6[%add3A_340, %dma_start3A_344] : memref<262144x128xf32, #tpu.memory_space<hbm>> -> memref<128x128xf32, #tpu.memory_space<hbm>>
      %dma_start3A_346 = arith.constant 0 : i32
      %dma_start3A_347 = tpu.memref_slice %arg6[%add3A_340, %dma_start3A_346] : memref<262144x128xf32, #tpu.memory_space<hbm>> -> memref<128x128xf32, #tpu.memory_space<hbm>>
      %dma_start3A_348 = arith.constant 0 : i32
      %dma_start3A_349 = arith.constant 0 : i32
      %dma_start3A_350 = tpu.memref_slice %arg14[%dma_start3A_348, %dma_start3A_349] : memref<128x208xf32, #tpu.memory_space<vmem>> -> memref<128x128xf32, #tpu.memory_space<vmem>>
      tpu.enqueue_dma source(%dma_start3A_350 : memref<128x128xf32, #tpu.memory_space<vmem>>) target(%dma_start3A_347 : memref<128x128xf32, #tpu.memory_space<hbm>>) target_semaphore(%arg22 : memref<!tpu.dma_semaphore, #tpu.memory_space<semaphore_mem>>)
      %mul3A_351 = arith.constant 128 : i32
      %mul3A_352 = arith.muli %sub3A_337, %mul3A_351 : i32
      %add3A_353 = arith.addi %mul3A_2, %mul3A_352 : i32
      %dma_start3A_354 = arith.constant 0 : i32
      %dma_start3A_355 = arith.constant 80 : i32
      %dma_start3A_356 = tpu.memref_slice %arg14[%dma_start3A_354, %dma_start3A_355] : memref<128x208xf32, #tpu.memory_space<vmem>> -> memref<128x128xf32, #tpu.memory_space<vmem>>
      %dma_start3A_357 = arith.constant 0 : i32
      %dma_start3A_358 = tpu.memref_slice %arg7[%add3A_353, %dma_start3A_357] : memref<262144x128xf32, #tpu.memory_space<hbm>> -> memref<128x128xf32, #tpu.memory_space<hbm>>
      %dma_start3A_359 = arith.constant 0 : i32
      %dma_start3A_360 = tpu.memref_slice %arg7[%add3A_353, %dma_start3A_359] : memref<262144x128xf32, #tpu.memory_space<hbm>> -> memref<128x128xf32, #tpu.memory_space<hbm>>
      %dma_start3A_361 = arith.constant 0 : i32
      %dma_start3A_362 = arith.constant 80 : i32
      %dma_start3A_363 = tpu.memref_slice %arg14[%dma_start3A_361, %dma_start3A_362] : memref<128x208xf32, #tpu.memory_space<vmem>> -> memref<128x128xf32, #tpu.memory_space<vmem>>
      tpu.enqueue_dma source(%dma_start3A_363 : memref<128x128xf32, #tpu.memory_space<vmem>>) target(%dma_start3A_360 : memref<128x128xf32, #tpu.memory_space<hbm>>) target_semaphore(%arg26 : memref<!tpu.dma_semaphore, #tpu.memory_space<semaphore_mem>>)
      %mul3A_364 = arith.constant 4 : i32
      %mul3A_365 = arith.muli %mul3A_364, %scan3A_295 : i32
      %add3A_366 = arith.constant 1 : i32
      %add3A_367 = arith.addi %mul3A_365, %add3A_366 : i32
      %dma_wait3A_368 = arith.constant 0 : i32
      %dma_wait3A_369 = arith.constant 0 : i32
      %dma_wait3A_370 = tpu.memref_slice %arg13[%dma_wait3A_368, %dma_wait3A_369] : memref<128x208xf32, #tpu.memory_space<vmem>> -> memref<128x128xf32, #tpu.memory_space<vmem>>
      %dma_wait3A_371 = arith.constant 0 : i32
      %dma_wait3A_372 = arith.constant 0 : i32
      %dma_wait3A_373 = tpu.memref_slice %arg6[%dma_wait3A_371, %dma_wait3A_372] : memref<262144x128xf32, #tpu.memory_space<hbm>> -> memref<128x128xf32, #tpu.memory_space<hbm>>
      %dma_wait3A_374 = arith.constant 0 : i32
      %dma_wait3A_375 = arith.constant 0 : i32
      %dma_wait3A_376 = tpu.memref_slice %arg6[%dma_wait3A_374, %dma_wait3A_375] : memref<262144x128xf32, #tpu.memory_space<hbm>> -> memref<128x128xf32, #tpu.memory_space<hbm>>
      %dma_wait3A_377 = arith.constant 0 : i32
      %dma_wait3A_378 = arith.constant 0 : i32
      %dma_wait3A_379 = tpu.memref_slice %arg13[%dma_wait3A_377, %dma_wait3A_378] : memref<128x208xf32, #tpu.memory_space<vmem>> -> memref<128x128xf32, #tpu.memory_space<vmem>>
      tpu.wait_dma2 semaphore(%arg21 : memref<!tpu.dma_semaphore, #tpu.memory_space<semaphore_mem>>) src(%dma_wait3A_379 : memref<128x128xf32, #tpu.memory_space<vmem>>) dst(%dma_wait3A_376 : memref<128x128xf32, #tpu.memory_space<hbm>>)
      %dma_wait3A_380 = arith.constant 0 : i32
      %dma_wait3A_381 = arith.constant 80 : i32
      %dma_wait3A_382 = tpu.memref_slice %arg13[%dma_wait3A_380, %dma_wait3A_381] : memref<128x208xf32, #tpu.memory_space<vmem>> -> memref<128x128xf32, #tpu.memory_space<vmem>>
      %dma_wait3A_383 = arith.constant 0 : i32
      %dma_wait3A_384 = arith.constant 0 : i32
      %dma_wait3A_385 = tpu.memref_slice %arg7[%dma_wait3A_383, %dma_wait3A_384] : memref<262144x128xf32, #tpu.memory_space<hbm>> -> memref<128x128xf32, #tpu.memory_space<hbm>>
      %dma_wait3A_386 = arith.constant 0 : i32
      %dma_wait3A_387 = arith.constant 0 : i32
      %dma_wait3A_388 = tpu.memref_slice %arg7[%dma_wait3A_386, %dma_wait3A_387] : memref<262144x128xf32, #tpu.memory_space<hbm>> -> memref<128x128xf32, #tpu.memory_space<hbm>>
      %dma_wait3A_389 = arith.constant 0 : i32
      %dma_wait3A_390 = arith.constant 80 : i32
      %dma_wait3A_391 = tpu.memref_slice %arg13[%dma_wait3A_389, %dma_wait3A_390] : memref<128x208xf32, #tpu.memory_space<vmem>> -> memref<128x128xf32, #tpu.memory_space<vmem>>
      tpu.wait_dma2 semaphore(%arg25 : memref<!tpu.dma_semaphore, #tpu.memory_space<semaphore_mem>>) src(%dma_wait3A_391 : memref<128x128xf32, #tpu.memory_space<vmem>>) dst(%dma_wait3A_388 : memref<128x128xf32, #tpu.memory_space<hbm>>)
      %mul3A_392 = arith.constant 128 : i32
      %mul3A_393 = arith.muli %add3A_367, %mul3A_392 : i32
      %dma_start3A_394 = tpu.memref_slice %arg11[%mul3A_393] : memref<8192xi32, #tpu.memory_space<vmem>> -> memref<128xi32, #tpu.memory_space<vmem>>
      %dma_start3A_395 = arith.constant 0 : i32
      %dma_start3A_396 = arith.constant 0 : i32
      %dma_start3A_397 = tpu.memref_slice %arg2[%dma_start3A_395, %dma_start3A_396] : memref<96000x208xf32, #tpu.memory_space<hbm>> -> memref<96000x208xf32, #tpu.memory_space<hbm>>
      tpu.enqueue_indirect_dma source(%dma_start3A_397 : memref<96000x208xf32, #tpu.memory_space<hbm>>) target(%arg13 : memref<128x208xf32, #tpu.memory_space<vmem>>) offsets(%dma_start3A_394 : memref<128xi32, #tpu.memory_space<vmem>>) semaphore(%arg17 : memref<!tpu.dma_semaphore, #tpu.memory_space<semaphore_mem>>)
      %dma_wait3A_398 = arith.constant 0 : i32
      %dma_wait3A_399 = arith.constant 0 : i32
      %dma_wait3A_400 = tpu.memref_slice %arg2[%dma_wait3A_398, %dma_wait3A_399] : memref<96000x208xf32, #tpu.memory_space<hbm>> -> memref<128x208xf32, #tpu.memory_space<hbm>>
      %dma_wait3A_401 = arith.constant 0 : i32
      %dma_wait3A_402 = arith.constant 0 : i32
      %dma_wait3A_403 = tpu.memref_slice %arg2[%dma_wait3A_401, %dma_wait3A_402] : memref<96000x208xf32, #tpu.memory_space<hbm>> -> memref<128x208xf32, #tpu.memory_space<hbm>>
      tpu.wait_dma2 semaphore(%arg19 : memref<!tpu.dma_semaphore, #tpu.memory_space<semaphore_mem>>) src(%dma_wait3A_403 : memref<128x208xf32, #tpu.memory_space<hbm>>) dst(%arg15 : memref<128x208xf32, #tpu.memory_space<vmem>>)
      %sub3A_404 = arith.constant 2 : i32
      %sub3A_405 = arith.subi %add3A_367, %sub3A_404 : i32
      %mul3A_406 = arith.constant 128 : i32
      %mul3A_407 = arith.muli %sub3A_405, %mul3A_406 : i32
      %add3A_408 = arith.addi %mul3A_2, %mul3A_407 : i32
      %dma_start3A_409 = arith.constant 0 : i32
      %dma_start3A_410 = arith.constant 0 : i32
      %dma_start3A_411 = tpu.memref_slice %arg15[%dma_start3A_409, %dma_start3A_410] : memref<128x208xf32, #tpu.memory_space<vmem>> -> memref<128x128xf32, #tpu.memory_space<vmem>>
      %dma_start3A_412 = arith.constant 0 : i32
      %dma_start3A_413 = tpu.memref_slice %arg6[%add3A_408, %dma_start3A_412] : memref<262144x128xf32, #tpu.memory_space<hbm>> -> memref<128x128xf32, #tpu.memory_space<hbm>>
      %dma_start3A_414 = arith.constant 0 : i32
      %dma_start3A_415 = tpu.memref_slice %arg6[%add3A_408, %dma_start3A_414] : memref<262144x128xf32, #tpu.memory_space<hbm>> -> memref<128x128xf32, #tpu.memory_space<hbm>>
      %dma_start3A_416 = arith.constant 0 : i32
      %dma_start3A_417 = arith.constant 0 : i32
      %dma_start3A_418 = tpu.memref_slice %arg15[%dma_start3A_416, %dma_start3A_417] : memref<128x208xf32, #tpu.memory_space<vmem>> -> memref<128x128xf32, #tpu.memory_space<vmem>>
      tpu.enqueue_dma source(%dma_start3A_418 : memref<128x128xf32, #tpu.memory_space<vmem>>) target(%dma_start3A_415 : memref<128x128xf32, #tpu.memory_space<hbm>>) target_semaphore(%arg23 : memref<!tpu.dma_semaphore, #tpu.memory_space<semaphore_mem>>)
      %mul3A_419 = arith.constant 128 : i32
      %mul3A_420 = arith.muli %sub3A_405, %mul3A_419 : i32
      %add3A_421 = arith.addi %mul3A_2, %mul3A_420 : i32
      %dma_start3A_422 = arith.constant 0 : i32
      %dma_start3A_423 = arith.constant 80 : i32
      %dma_start3A_424 = tpu.memref_slice %arg15[%dma_start3A_422, %dma_start3A_423] : memref<128x208xf32, #tpu.memory_space<vmem>> -> memref<128x128xf32, #tpu.memory_space<vmem>>
      %dma_start3A_425 = arith.constant 0 : i32
      %dma_start3A_426 = tpu.memref_slice %arg7[%add3A_421, %dma_start3A_425] : memref<262144x128xf32, #tpu.memory_space<hbm>> -> memref<128x128xf32, #tpu.memory_space<hbm>>
      %dma_start3A_427 = arith.constant 0 : i32
      %dma_start3A_428 = tpu.memref_slice %arg7[%add3A_421, %dma_start3A_427] : memref<262144x128xf32, #tpu.memory_space<hbm>> -> memref<128x128xf32, #tpu.memory_space<hbm>>
      %dma_start3A_429 = arith.constant 0 : i32
      %dma_start3A_430 = arith.constant 80 : i32
      %dma_start3A_431 = tpu.memref_slice %arg15[%dma_start3A_429, %dma_start3A_430] : memref<128x208xf32, #tpu.memory_space<vmem>> -> memref<128x128xf32, #tpu.memory_space<vmem>>
      tpu.enqueue_dma source(%dma_start3A_431 : memref<128x128xf32, #tpu.memory_space<vmem>>) target(%dma_start3A_428 : memref<128x128xf32, #tpu.memory_space<hbm>>) target_semaphore(%arg27 : memref<!tpu.dma_semaphore, #tpu.memory_space<semaphore_mem>>)
      %mul3A_432 = arith.constant 4 : i32
      %mul3A_433 = arith.muli %mul3A_432, %scan3A_295 : i32
      %add3A_434 = arith.constant 2 : i32
      %add3A_435 = arith.addi %mul3A_433, %add3A_434 : i32
      %dma_wait3A_436 = arith.constant 0 : i32
      %dma_wait3A_437 = arith.constant 0 : i32
      %dma_wait3A_438 = tpu.memref_slice %arg14[%dma_wait3A_436, %dma_wait3A_437] : memref<128x208xf32, #tpu.memory_space<vmem>> -> memref<128x128xf32, #tpu.memory_space<vmem>>
      %dma_wait3A_439 = arith.constant 0 : i32
      %dma_wait3A_440 = arith.constant 0 : i32
      %dma_wait3A_441 = tpu.memref_slice %arg6[%dma_wait3A_439, %dma_wait3A_440] : memref<262144x128xf32, #tpu.memory_space<hbm>> -> memref<128x128xf32, #tpu.memory_space<hbm>>
      %dma_wait3A_442 = arith.constant 0 : i32
      %dma_wait3A_443 = arith.constant 0 : i32
      %dma_wait3A_444 = tpu.memref_slice %arg6[%dma_wait3A_442, %dma_wait3A_443] : memref<262144x128xf32, #tpu.memory_space<hbm>> -> memref<128x128xf32, #tpu.memory_space<hbm>>
      %dma_wait3A_445 = arith.constant 0 : i32
      %dma_wait3A_446 = arith.constant 0 : i32
      %dma_wait3A_447 = tpu.memref_slice %arg14[%dma_wait3A_445, %dma_wait3A_446] : memref<128x208xf32, #tpu.memory_space<vmem>> -> memref<128x128xf32, #tpu.memory_space<vmem>>
      tpu.wait_dma2 semaphore(%arg22 : memref<!tpu.dma_semaphore, #tpu.memory_space<semaphore_mem>>) src(%dma_wait3A_447 : memref<128x128xf32, #tpu.memory_space<vmem>>) dst(%dma_wait3A_444 : memref<128x128xf32, #tpu.memory_space<hbm>>)
      %dma_wait3A_448 = arith.constant 0 : i32
      %dma_wait3A_449 = arith.constant 80 : i32
      %dma_wait3A_450 = tpu.memref_slice %arg14[%dma_wait3A_448, %dma_wait3A_449] : memref<128x208xf32, #tpu.memory_space<vmem>> -> memref<128x128xf32, #tpu.memory_space<vmem>>
      %dma_wait3A_451 = arith.constant 0 : i32
      %dma_wait3A_452 = arith.constant 0 : i32
      %dma_wait3A_453 = tpu.memref_slice %arg7[%dma_wait3A_451, %dma_wait3A_452] : memref<262144x128xf32, #tpu.memory_space<hbm>> -> memref<128x128xf32, #tpu.memory_space<hbm>>
      %dma_wait3A_454 = arith.constant 0 : i32
      %dma_wait3A_455 = arith.constant 0 : i32
      %dma_wait3A_456 = tpu.memref_slice %arg7[%dma_wait3A_454, %dma_wait3A_455] : memref<262144x128xf32, #tpu.memory_space<hbm>> -> memref<128x128xf32, #tpu.memory_space<hbm>>
      %dma_wait3A_457 = arith.constant 0 : i32
      %dma_wait3A_458 = arith.constant 80 : i32
      %dma_wait3A_459 = tpu.memref_slice %arg14[%dma_wait3A_457, %dma_wait3A_458] : memref<128x208xf32, #tpu.memory_space<vmem>> -> memref<128x128xf32, #tpu.memory_space<vmem>>
      tpu.wait_dma2 semaphore(%arg26 : memref<!tpu.dma_semaphore, #tpu.memory_space<semaphore_mem>>) src(%dma_wait3A_459 : memref<128x128xf32, #tpu.memory_space<vmem>>) dst(%dma_wait3A_456 : memref<128x128xf32, #tpu.memory_space<hbm>>)
      %mul3A_460 = arith.constant 128 : i32
      %mul3A_461 = arith.muli %add3A_435, %mul3A_460 : i32
      %dma_start3A_462 = tpu.memref_slice %arg11[%mul3A_461] : memref<8192xi32, #tpu.memory_space<vmem>> -> memref<128xi32, #tpu.memory_space<vmem>>
      %dma_start3A_463 = arith.constant 0 : i32
      %dma_start3A_464 = arith.constant 0 : i32
      %dma_start3A_465 = tpu.memref_slice %arg2[%dma_start3A_463, %dma_start3A_464] : memref<96000x208xf32, #tpu.memory_space<hbm>> -> memref<96000x208xf32, #tpu.memory_space<hbm>>
      tpu.enqueue_indirect_dma source(%dma_start3A_465 : memref<96000x208xf32, #tpu.memory_space<hbm>>) target(%arg14 : memref<128x208xf32, #tpu.memory_space<vmem>>) offsets(%dma_start3A_462 : memref<128xi32, #tpu.memory_space<vmem>>) semaphore(%arg18 : memref<!tpu.dma_semaphore, #tpu.memory_space<semaphore_mem>>)
      %dma_wait3A_466 = arith.constant 0 : i32
      %dma_wait3A_467 = arith.constant 0 : i32
      %dma_wait3A_468 = tpu.memref_slice %arg2[%dma_wait3A_466, %dma_wait3A_467] : memref<96000x208xf32, #tpu.memory_space<hbm>> -> memref<128x208xf32, #tpu.memory_space<hbm>>
      %dma_wait3A_469 = arith.constant 0 : i32
      %dma_wait3A_470 = arith.constant 0 : i32
      %dma_wait3A_471 = tpu.memref_slice %arg2[%dma_wait3A_469, %dma_wait3A_470] : memref<96000x208xf32, #tpu.memory_space<hbm>> -> memref<128x208xf32, #tpu.memory_space<hbm>>
      tpu.wait_dma2 semaphore(%arg16 : memref<!tpu.dma_semaphore, #tpu.memory_space<semaphore_mem>>) src(%dma_wait3A_471 : memref<128x208xf32, #tpu.memory_space<hbm>>) dst(%arg12 : memref<128x208xf32, #tpu.memory_space<vmem>>)
      %sub3A_472 = arith.constant 2 : i32
      %sub3A_473 = arith.subi %add3A_435, %sub3A_472 : i32
      %mul3A_474 = arith.constant 128 : i32
      %mul3A_475 = arith.muli %sub3A_473, %mul3A_474 : i32
      %add3A_476 = arith.addi %mul3A_2, %mul3A_475 : i32
      %dma_start3A_477 = arith.constant 0 : i32
      %dma_start3A_478 = arith.constant 0 : i32
      %dma_start3A_479 = tpu.memref_slice %arg12[%dma_start3A_477, %dma_start3A_478] : memref<128x208xf32, #tpu.memory_space<vmem>> -> memref<128x128xf32, #tpu.memory_space<vmem>>
      %dma_start3A_480 = arith.constant 0 : i32
      %dma_start3A_481 = tpu.memref_slice %arg6[%add3A_476, %dma_start3A_480] : memref<262144x128xf32, #tpu.memory_space<hbm>> -> memref<128x128xf32, #tpu.memory_space<hbm>>
      %dma_start3A_482 = arith.constant 0 : i32
      %dma_start3A_483 = tpu.memref_slice %arg6[%add3A_476, %dma_start3A_482] : memref<262144x128xf32, #tpu.memory_space<hbm>> -> memref<128x128xf32, #tpu.memory_space<hbm>>
      %dma_start3A_484 = arith.constant 0 : i32
      %dma_start3A_485 = arith.constant 0 : i32
      %dma_start3A_486 = tpu.memref_slice %arg12[%dma_start3A_484, %dma_start3A_485] : memref<128x208xf32, #tpu.memory_space<vmem>> -> memref<128x128xf32, #tpu.memory_space<vmem>>
      tpu.enqueue_dma source(%dma_start3A_486 : memref<128x128xf32, #tpu.memory_space<vmem>>) target(%dma_start3A_483 : memref<128x128xf32, #tpu.memory_space<hbm>>) target_semaphore(%arg20 : memref<!tpu.dma_semaphore, #tpu.memory_space<semaphore_mem>>)
      %mul3A_487 = arith.constant 128 : i32
      %mul3A_488 = arith.muli %sub3A_473, %mul3A_487 : i32
      %add3A_489 = arith.addi %mul3A_2, %mul3A_488 : i32
      %dma_start3A_490 = arith.constant 0 : i32
      %dma_start3A_491 = arith.constant 80 : i32
      %dma_start3A_492 = tpu.memref_slice %arg12[%dma_start3A_490, %dma_start3A_491] : memref<128x208xf32, #tpu.memory_space<vmem>> -> memref<128x128xf32, #tpu.memory_space<vmem>>
      %dma_start3A_493 = arith.constant 0 : i32
      %dma_start3A_494 = tpu.memref_slice %arg7[%add3A_489, %dma_start3A_493] : memref<262144x128xf32, #tpu.memory_space<hbm>> -> memref<128x128xf32, #tpu.memory_space<hbm>>
      %dma_start3A_495 = arith.constant 0 : i32
      %dma_start3A_496 = tpu.memref_slice %arg7[%add3A_489, %dma_start3A_495] : memref<262144x128xf32, #tpu.memory_space<hbm>> -> memref<128x128xf32, #tpu.memory_space<hbm>>
      %dma_start3A_497 = arith.constant 0 : i32
      %dma_start3A_498 = arith.constant 80 : i32
      %dma_start3A_499 = tpu.memref_slice %arg12[%dma_start3A_497, %dma_start3A_498] : memref<128x208xf32, #tpu.memory_space<vmem>> -> memref<128x128xf32, #tpu.memory_space<vmem>>
      tpu.enqueue_dma source(%dma_start3A_499 : memref<128x128xf32, #tpu.memory_space<vmem>>) target(%dma_start3A_496 : memref<128x128xf32, #tpu.memory_space<hbm>>) target_semaphore(%arg24 : memref<!tpu.dma_semaphore, #tpu.memory_space<semaphore_mem>>)
      %mul3A_500 = arith.constant 4 : i32
      %mul3A_501 = arith.muli %mul3A_500, %scan3A_295 : i32
      %add3A_502 = arith.constant 3 : i32
      %add3A_503 = arith.addi %mul3A_501, %add3A_502 : i32
      %dma_wait3A_504 = arith.constant 0 : i32
      %dma_wait3A_505 = arith.constant 0 : i32
      %dma_wait3A_506 = tpu.memref_slice %arg15[%dma_wait3A_504, %dma_wait3A_505] : memref<128x208xf32, #tpu.memory_space<vmem>> -> memref<128x128xf32, #tpu.memory_space<vmem>>
      %dma_wait3A_507 = arith.constant 0 : i32
      %dma_wait3A_508 = arith.constant 0 : i32
      %dma_wait3A_509 = tpu.memref_slice %arg6[%dma_wait3A_507, %dma_wait3A_508] : memref<262144x128xf32, #tpu.memory_space<hbm>> -> memref<128x128xf32, #tpu.memory_space<hbm>>
      %dma_wait3A_510 = arith.constant 0 : i32
      %dma_wait3A_511 = arith.constant 0 : i32
      %dma_wait3A_512 = tpu.memref_slice %arg6[%dma_wait3A_510, %dma_wait3A_511] : memref<262144x128xf32, #tpu.memory_space<hbm>> -> memref<128x128xf32, #tpu.memory_space<hbm>>
      %dma_wait3A_513 = arith.constant 0 : i32
      %dma_wait3A_514 = arith.constant 0 : i32
      %dma_wait3A_515 = tpu.memref_slice %arg15[%dma_wait3A_513, %dma_wait3A_514] : memref<128x208xf32, #tpu.memory_space<vmem>> -> memref<128x128xf32, #tpu.memory_space<vmem>>
      tpu.wait_dma2 semaphore(%arg23 : memref<!tpu.dma_semaphore, #tpu.memory_space<semaphore_mem>>) src(%dma_wait3A_515 : memref<128x128xf32, #tpu.memory_space<vmem>>) dst(%dma_wait3A_512 : memref<128x128xf32, #tpu.memory_space<hbm>>)
      %dma_wait3A_516 = arith.constant 0 : i32
      %dma_wait3A_517 = arith.constant 80 : i32
      %dma_wait3A_518 = tpu.memref_slice %arg15[%dma_wait3A_516, %dma_wait3A_517] : memref<128x208xf32, #tpu.memory_space<vmem>> -> memref<128x128xf32, #tpu.memory_space<vmem>>
      %dma_wait3A_519 = arith.constant 0 : i32
      %dma_wait3A_520 = arith.constant 0 : i32
      %dma_wait3A_521 = tpu.memref_slice %arg7[%dma_wait3A_519, %dma_wait3A_520] : memref<262144x128xf32, #tpu.memory_space<hbm>> -> memref<128x128xf32, #tpu.memory_space<hbm>>
      %dma_wait3A_522 = arith.constant 0 : i32
      %dma_wait3A_523 = arith.constant 0 : i32
      %dma_wait3A_524 = tpu.memref_slice %arg7[%dma_wait3A_522, %dma_wait3A_523] : memref<262144x128xf32, #tpu.memory_space<hbm>> -> memref<128x128xf32, #tpu.memory_space<hbm>>
      %dma_wait3A_525 = arith.constant 0 : i32
      %dma_wait3A_526 = arith.constant 80 : i32
      %dma_wait3A_527 = tpu.memref_slice %arg15[%dma_wait3A_525, %dma_wait3A_526] : memref<128x208xf32, #tpu.memory_space<vmem>> -> memref<128x128xf32, #tpu.memory_space<vmem>>
      tpu.wait_dma2 semaphore(%arg27 : memref<!tpu.dma_semaphore, #tpu.memory_space<semaphore_mem>>) src(%dma_wait3A_527 : memref<128x128xf32, #tpu.memory_space<vmem>>) dst(%dma_wait3A_524 : memref<128x128xf32, #tpu.memory_space<hbm>>)
      %mul3A_528 = arith.constant 128 : i32
      %mul3A_529 = arith.muli %add3A_503, %mul3A_528 : i32
      %dma_start3A_530 = tpu.memref_slice %arg11[%mul3A_529] : memref<8192xi32, #tpu.memory_space<vmem>> -> memref<128xi32, #tpu.memory_space<vmem>>
      %dma_start3A_531 = arith.constant 0 : i32
      %dma_start3A_532 = arith.constant 0 : i32
      %dma_start3A_533 = tpu.memref_slice %arg2[%dma_start3A_531, %dma_start3A_532] : memref<96000x208xf32, #tpu.memory_space<hbm>> -> memref<96000x208xf32, #tpu.memory_space<hbm>>
      tpu.enqueue_indirect_dma source(%dma_start3A_533 : memref<96000x208xf32, #tpu.memory_space<hbm>>) target(%arg15 : memref<128x208xf32, #tpu.memory_space<vmem>>) offsets(%dma_start3A_530 : memref<128xi32, #tpu.memory_space<vmem>>) semaphore(%arg19 : memref<!tpu.dma_semaphore, #tpu.memory_space<semaphore_mem>>)
      %dma_wait3A_534 = arith.constant 0 : i32
      %dma_wait3A_535 = arith.constant 0 : i32
      %dma_wait3A_536 = tpu.memref_slice %arg2[%dma_wait3A_534, %dma_wait3A_535] : memref<96000x208xf32, #tpu.memory_space<hbm>> -> memref<128x208xf32, #tpu.memory_space<hbm>>
      %dma_wait3A_537 = arith.constant 0 : i32
      %dma_wait3A_538 = arith.constant 0 : i32
      %dma_wait3A_539 = tpu.memref_slice %arg2[%dma_wait3A_537, %dma_wait3A_538] : memref<96000x208xf32, #tpu.memory_space<hbm>> -> memref<128x208xf32, #tpu.memory_space<hbm>>
      tpu.wait_dma2 semaphore(%arg17 : memref<!tpu.dma_semaphore, #tpu.memory_space<semaphore_mem>>) src(%dma_wait3A_539 : memref<128x208xf32, #tpu.memory_space<hbm>>) dst(%arg13 : memref<128x208xf32, #tpu.memory_space<vmem>>)
      %sub3A_540 = arith.constant 2 : i32
      %sub3A_541 = arith.subi %add3A_503, %sub3A_540 : i32
      %mul3A_542 = arith.constant 128 : i32
      %mul3A_543 = arith.muli %sub3A_541, %mul3A_542 : i32
      %add3A_544 = arith.addi %mul3A_2, %mul3A_543 : i32
      %dma_start3A_545 = arith.constant 0 : i32
      %dma_start3A_546 = arith.constant 0 : i32
      %dma_start3A_547 = tpu.memref_slice %arg13[%dma_start3A_545, %dma_start3A_546] : memref<128x208xf32, #tpu.memory_space<vmem>> -> memref<128x128xf32, #tpu.memory_space<vmem>>
      %dma_start3A_548 = arith.constant 0 : i32
      %dma_start3A_549 = tpu.memref_slice %arg6[%add3A_544, %dma_start3A_548] : memref<262144x128xf32, #tpu.memory_space<hbm>> -> memref<128x128xf32, #tpu.memory_space<hbm>>
      %dma_start3A_550 = arith.constant 0 : i32
      %dma_start3A_551 = tpu.memref_slice %arg6[%add3A_544, %dma_start3A_550] : memref<262144x128xf32, #tpu.memory_space<hbm>> -> memref<128x128xf32, #tpu.memory_space<hbm>>
      %dma_start3A_552 = arith.constant 0 : i32
      %dma_start3A_553 = arith.constant 0 : i32
      %dma_start3A_554 = tpu.memref_slice %arg13[%dma_start3A_552, %dma_start3A_553] : memref<128x208xf32, #tpu.memory_space<vmem>> -> memref<128x128xf32, #tpu.memory_space<vmem>>
      tpu.enqueue_dma source(%dma_start3A_554 : memref<128x128xf32, #tpu.memory_space<vmem>>) target(%dma_start3A_551 : memref<128x128xf32, #tpu.memory_space<hbm>>) target_semaphore(%arg21 : memref<!tpu.dma_semaphore, #tpu.memory_space<semaphore_mem>>)
      %mul3A_555 = arith.constant 128 : i32
      %mul3A_556 = arith.muli %sub3A_541, %mul3A_555 : i32
      %add3A_557 = arith.addi %mul3A_2, %mul3A_556 : i32
      %dma_start3A_558 = arith.constant 0 : i32
      %dma_start3A_559 = arith.constant 80 : i32
      %dma_start3A_560 = tpu.memref_slice %arg13[%dma_start3A_558, %dma_start3A_559] : memref<128x208xf32, #tpu.memory_space<vmem>> -> memref<128x128xf32, #tpu.memory_space<vmem>>
      %dma_start3A_561 = arith.constant 0 : i32
      %dma_start3A_562 = tpu.memref_slice %arg7[%add3A_557, %dma_start3A_561] : memref<262144x128xf32, #tpu.memory_space<hbm>> -> memref<128x128xf32, #tpu.memory_space<hbm>>
      %dma_start3A_563 = arith.constant 0 : i32
      %dma_start3A_564 = tpu.memref_slice %arg7[%add3A_557, %dma_start3A_563] : memref<262144x128xf32, #tpu.memory_space<hbm>> -> memref<128x128xf32, #tpu.memory_space<hbm>>
      %dma_start3A_565 = arith.constant 0 : i32
      %dma_start3A_566 = arith.constant 80 : i32
      %dma_start3A_567 = tpu.memref_slice %arg13[%dma_start3A_565, %dma_start3A_566] : memref<128x208xf32, #tpu.memory_space<vmem>> -> memref<128x128xf32, #tpu.memory_space<vmem>>
      tpu.enqueue_dma source(%dma_start3A_567 : memref<128x128xf32, #tpu.memory_space<vmem>>) target(%dma_start3A_564 : memref<128x128xf32, #tpu.memory_space<hbm>>) target_semaphore(%arg25 : memref<!tpu.dma_semaphore, #tpu.memory_space<semaphore_mem>>)
      %scan3A_568 = arith.constant 0 : i32
      scf.yield %scan3A_568 : i32
    }
    %scan3A_138 = arith.constant 15 : i32
    %dma_wait3A_139 = arith.constant 0 : i32
    %dma_wait3A_140 = arith.constant 0 : i32
    %dma_wait3A_141 = tpu.memref_slice %arg2[%dma_wait3A_139, %dma_wait3A_140] : memref<96000x208xf32, #tpu.memory_space<hbm>> -> memref<128x208xf32, #tpu.memory_space<hbm>>
    %dma_wait3A_142 = arith.constant 0 : i32
    %dma_wait3A_143 = arith.constant 0 : i32
    %dma_wait3A_144 = tpu.memref_slice %arg2[%dma_wait3A_142, %dma_wait3A_143] : memref<96000x208xf32, #tpu.memory_space<hbm>> -> memref<128x208xf32, #tpu.memory_space<hbm>>
    tpu.wait_dma2 semaphore(%arg18 : memref<!tpu.dma_semaphore, #tpu.memory_space<semaphore_mem>>) src(%dma_wait3A_144 : memref<128x208xf32, #tpu.memory_space<hbm>>) dst(%arg14 : memref<128x208xf32, #tpu.memory_space<vmem>>)
    %add3A_145 = arith.constant 7936 : i32
    %add3A_146 = arith.addi %mul3A_2, %add3A_145 : i32
    %dma_start3A_147 = arith.constant 0 : i32
    %dma_start3A_148 = arith.constant 0 : i32
    %dma_start3A_149 = tpu.memref_slice %arg14[%dma_start3A_147, %dma_start3A_148] : memref<128x208xf32, #tpu.memory_space<vmem>> -> memref<128x128xf32, #tpu.memory_space<vmem>>
    %dma_start3A_150 = arith.constant 0 : i32
    %dma_start3A_151 = tpu.memref_slice %arg6[%add3A_146, %dma_start3A_150] : memref<262144x128xf32, #tpu.memory_space<hbm>> -> memref<128x128xf32, #tpu.memory_space<hbm>>
    %dma_start3A_152 = arith.constant 0 : i32
    %dma_start3A_153 = tpu.memref_slice %arg6[%add3A_146, %dma_start3A_152] : memref<262144x128xf32, #tpu.memory_space<hbm>> -> memref<128x128xf32, #tpu.memory_space<hbm>>
    %dma_start3A_154 = arith.constant 0 : i32
    %dma_start3A_155 = arith.constant 0 : i32
    %dma_start3A_156 = tpu.memref_slice %arg14[%dma_start3A_154, %dma_start3A_155] : memref<128x208xf32, #tpu.memory_space<vmem>> -> memref<128x128xf32, #tpu.memory_space<vmem>>
    tpu.enqueue_dma source(%dma_start3A_156 : memref<128x128xf32, #tpu.memory_space<vmem>>) target(%dma_start3A_153 : memref<128x128xf32, #tpu.memory_space<hbm>>) target_semaphore(%arg22 : memref<!tpu.dma_semaphore, #tpu.memory_space<semaphore_mem>>)
    %add3A_157 = arith.constant 7936 : i32
    %add3A_158 = arith.addi %mul3A_2, %add3A_157 : i32
    %dma_start3A_159 = arith.constant 0 : i32
    %dma_start3A_160 = arith.constant 80 : i32
    %dma_start3A_161 = tpu.memref_slice %arg14[%dma_start3A_159, %dma_start3A_160] : memref<128x208xf32, #tpu.memory_space<vmem>> -> memref<128x128xf32, #tpu.memory_space<vmem>>
    %dma_start3A_162 = arith.constant 0 : i32
    %dma_start3A_163 = tpu.memref_slice %arg7[%add3A_158, %dma_start3A_162] : memref<262144x128xf32, #tpu.memory_space<hbm>> -> memref<128x128xf32, #tpu.memory_space<hbm>>
    %dma_start3A_164 = arith.constant 0 : i32
    %dma_start3A_165 = tpu.memref_slice %arg7[%add3A_158, %dma_start3A_164] : memref<262144x128xf32, #tpu.memory_space<hbm>> -> memref<128x128xf32, #tpu.memory_space<hbm>>
    %dma_start3A_166 = arith.constant 0 : i32
    %dma_start3A_167 = arith.constant 80 : i32
    %dma_start3A_168 = tpu.memref_slice %arg14[%dma_start3A_166, %dma_start3A_167] : memref<128x208xf32, #tpu.memory_space<vmem>> -> memref<128x128xf32, #tpu.memory_space<vmem>>
    tpu.enqueue_dma source(%dma_start3A_168 : memref<128x128xf32, #tpu.memory_space<vmem>>) target(%dma_start3A_165 : memref<128x128xf32, #tpu.memory_space<hbm>>) target_semaphore(%arg26 : memref<!tpu.dma_semaphore, #tpu.memory_space<semaphore_mem>>)
    %dma_wait3A_169 = arith.constant 0 : i32
    %dma_wait3A_170 = arith.constant 0 : i32
    %dma_wait3A_171 = tpu.memref_slice %arg2[%dma_wait3A_169, %dma_wait3A_170] : memref<96000x208xf32, #tpu.memory_space<hbm>> -> memref<128x208xf32, #tpu.memory_space<hbm>>
    %dma_wait3A_172 = arith.constant 0 : i32
    %dma_wait3A_173 = arith.constant 0 : i32
    %dma_wait3A_174 = tpu.memref_slice %arg2[%dma_wait3A_172, %dma_wait3A_173] : memref<96000x208xf32, #tpu.memory_space<hbm>> -> memref<128x208xf32, #tpu.memory_space<hbm>>
    tpu.wait_dma2 semaphore(%arg19 : memref<!tpu.dma_semaphore, #tpu.memory_space<semaphore_mem>>) src(%dma_wait3A_174 : memref<128x208xf32, #tpu.memory_space<hbm>>) dst(%arg15 : memref<128x208xf32, #tpu.memory_space<vmem>>)
    %add3A_175 = arith.constant 8064 : i32
    %add3A_176 = arith.addi %mul3A_2, %add3A_175 : i32
    %dma_start3A_177 = arith.constant 0 : i32
    %dma_start3A_178 = arith.constant 0 : i32
    %dma_start3A_179 = tpu.memref_slice %arg15[%dma_start3A_177, %dma_start3A_178] : memref<128x208xf32, #tpu.memory_space<vmem>> -> memref<128x128xf32, #tpu.memory_space<vmem>>
    %dma_start3A_180 = arith.constant 0 : i32
    %dma_start3A_181 = tpu.memref_slice %arg6[%add3A_176, %dma_start3A_180] : memref<262144x128xf32, #tpu.memory_space<hbm>> -> memref<128x128xf32, #tpu.memory_space<hbm>>
    %dma_start3A_182 = arith.constant 0 : i32
    %dma_start3A_183 = tpu.memref_slice %arg6[%add3A_176, %dma_start3A_182] : memref<262144x128xf32, #tpu.memory_space<hbm>> -> memref<128x128xf32, #tpu.memory_space<hbm>>
    %dma_start3A_184 = arith.constant 0 : i32
    %dma_start3A_185 = arith.constant 0 : i32
    %dma_start3A_186 = tpu.memref_slice %arg15[%dma_start3A_184, %dma_start3A_185] : memref<128x208xf32, #tpu.memory_space<vmem>> -> memref<128x128xf32, #tpu.memory_space<vmem>>
    tpu.enqueue_dma source(%dma_start3A_186 : memref<128x128xf32, #tpu.memory_space<vmem>>) target(%dma_start3A_183 : memref<128x128xf32, #tpu.memory_space<hbm>>) target_semaphore(%arg23 : memref<!tpu.dma_semaphore, #tpu.memory_space<semaphore_mem>>)
    %add3A_187 = arith.constant 8064 : i32
    %add3A_188 = arith.addi %mul3A_2, %add3A_187 : i32
    %dma_start3A_189 = arith.constant 0 : i32
    %dma_start3A_190 = arith.constant 80 : i32
    %dma_start3A_191 = tpu.memref_slice %arg15[%dma_start3A_189, %dma_start3A_190] : memref<128x208xf32, #tpu.memory_space<vmem>> -> memref<128x128xf32, #tpu.memory_space<vmem>>
    %dma_start3A_192 = arith.constant 0 : i32
    %dma_start3A_193 = tpu.memref_slice %arg7[%add3A_188, %dma_start3A_192] : memref<262144x128xf32, #tpu.memory_space<hbm>> -> memref<128x128xf32, #tpu.memory_space<hbm>>
    %dma_start3A_194 = arith.constant 0 : i32
    %dma_start3A_195 = tpu.memref_slice %arg7[%add3A_188, %dma_start3A_194] : memref<262144x128xf32, #tpu.memory_space<hbm>> -> memref<128x128xf32, #tpu.memory_space<hbm>>
    %dma_start3A_196 = arith.constant 0 : i32
    %dma_start3A_197 = arith.constant 80 : i32
    %dma_start3A_198 = tpu.memref_slice %arg15[%dma_start3A_196, %dma_start3A_197] : memref<128x208xf32, #tpu.memory_space<vmem>> -> memref<128x128xf32, #tpu.memory_space<vmem>>
    tpu.enqueue_dma source(%dma_start3A_198 : memref<128x128xf32, #tpu.memory_space<vmem>>) target(%dma_start3A_195 : memref<128x128xf32, #tpu.memory_space<hbm>>) target_semaphore(%arg27 : memref<!tpu.dma_semaphore, #tpu.memory_space<semaphore_mem>>)
    %dma_wait3A_199 = arith.constant 0 : i32
    %dma_wait3A_200 = arith.constant 0 : i32
    %dma_wait3A_201 = tpu.memref_slice %arg12[%dma_wait3A_199, %dma_wait3A_200] : memref<128x208xf32, #tpu.memory_space<vmem>> -> memref<128x128xf32, #tpu.memory_space<vmem>>
    %dma_wait3A_202 = arith.constant 0 : i32
    %dma_wait3A_203 = arith.constant 0 : i32
    %dma_wait3A_204 = tpu.memref_slice %arg6[%dma_wait3A_202, %dma_wait3A_203] : memref<262144x128xf32, #tpu.memory_space<hbm>> -> memref<128x128xf32, #tpu.memory_space<hbm>>
    %dma_wait3A_205 = arith.constant 0 : i32
    %dma_wait3A_206 = arith.constant 0 : i32
    %dma_wait3A_207 = tpu.memref_slice %arg6[%dma_wait3A_205, %dma_wait3A_206] : memref<262144x128xf32, #tpu.memory_space<hbm>> -> memref<128x128xf32, #tpu.memory_space<hbm>>
    %dma_wait3A_208 = arith.constant 0 : i32
    %dma_wait3A_209 = arith.constant 0 : i32
    %dma_wait3A_210 = tpu.memref_slice %arg12[%dma_wait3A_208, %dma_wait3A_209] : memref<128x208xf32, #tpu.memory_space<vmem>> -> memref<128x128xf32, #tpu.memory_space<vmem>>
    tpu.wait_dma2 semaphore(%arg20 : memref<!tpu.dma_semaphore, #tpu.memory_space<semaphore_mem>>) src(%dma_wait3A_210 : memref<128x128xf32, #tpu.memory_space<vmem>>) dst(%dma_wait3A_207 : memref<128x128xf32, #tpu.memory_space<hbm>>)
    %dma_wait3A_211 = arith.constant 0 : i32
    %dma_wait3A_212 = arith.constant 80 : i32
    %dma_wait3A_213 = tpu.memref_slice %arg12[%dma_wait3A_211, %dma_wait3A_212] : memref<128x208xf32, #tpu.memory_space<vmem>> -> memref<128x128xf32, #tpu.memory_space<vmem>>
    %dma_wait3A_214 = arith.constant 0 : i32
    %dma_wait3A_215 = arith.constant 0 : i32
    %dma_wait3A_216 = tpu.memref_slice %arg7[%dma_wait3A_214, %dma_wait3A_215] : memref<262144x128xf32, #tpu.memory_space<hbm>> -> memref<128x128xf32, #tpu.memory_space<hbm>>
    %dma_wait3A_217 = arith.constant 0 : i32
    %dma_wait3A_218 = arith.constant 0 : i32
    %dma_wait3A_219 = tpu.memref_slice %arg7[%dma_wait3A_217, %dma_wait3A_218] : memref<262144x128xf32, #tpu.memory_space<hbm>> -> memref<128x128xf32, #tpu.memory_space<hbm>>
    %dma_wait3A_220 = arith.constant 0 : i32
    %dma_wait3A_221 = arith.constant 80 : i32
    %dma_wait3A_222 = tpu.memref_slice %arg12[%dma_wait3A_220, %dma_wait3A_221] : memref<128x208xf32, #tpu.memory_space<vmem>> -> memref<128x128xf32, #tpu.memory_space<vmem>>
    tpu.wait_dma2 semaphore(%arg24 : memref<!tpu.dma_semaphore, #tpu.memory_space<semaphore_mem>>) src(%dma_wait3A_222 : memref<128x128xf32, #tpu.memory_space<vmem>>) dst(%dma_wait3A_219 : memref<128x128xf32, #tpu.memory_space<hbm>>)
    %dma_wait3A_223 = arith.constant 0 : i32
    %dma_wait3A_224 = arith.constant 0 : i32
    %dma_wait3A_225 = tpu.memref_slice %arg13[%dma_wait3A_223, %dma_wait3A_224] : memref<128x208xf32, #tpu.memory_space<vmem>> -> memref<128x128xf32, #tpu.memory_space<vmem>>
    %dma_wait3A_226 = arith.constant 0 : i32
    %dma_wait3A_227 = arith.constant 0 : i32
    %dma_wait3A_228 = tpu.memref_slice %arg6[%dma_wait3A_226, %dma_wait3A_227] : memref<262144x128xf32, #tpu.memory_space<hbm>> -> memref<128x128xf32, #tpu.memory_space<hbm>>
    %dma_wait3A_229 = arith.constant 0 : i32
    %dma_wait3A_230 = arith.constant 0 : i32
    %dma_wait3A_231 = tpu.memref_slice %arg6[%dma_wait3A_229, %dma_wait3A_230] : memref<262144x128xf32, #tpu.memory_space<hbm>> -> memref<128x128xf32, #tpu.memory_space<hbm>>
    %dma_wait3A_232 = arith.constant 0 : i32
    %dma_wait3A_233 = arith.constant 0 : i32
    %dma_wait3A_234 = tpu.memref_slice %arg13[%dma_wait3A_232, %dma_wait3A_233] : memref<128x208xf32, #tpu.memory_space<vmem>> -> memref<128x128xf32, #tpu.memory_space<vmem>>
    tpu.wait_dma2 semaphore(%arg21 : memref<!tpu.dma_semaphore, #tpu.memory_space<semaphore_mem>>) src(%dma_wait3A_234 : memref<128x128xf32, #tpu.memory_space<vmem>>) dst(%dma_wait3A_231 : memref<128x128xf32, #tpu.memory_space<hbm>>)
    %dma_wait3A_235 = arith.constant 0 : i32
    %dma_wait3A_236 = arith.constant 80 : i32
    %dma_wait3A_237 = tpu.memref_slice %arg13[%dma_wait3A_235, %dma_wait3A_236] : memref<128x208xf32, #tpu.memory_space<vmem>> -> memref<128x128xf32, #tpu.memory_space<vmem>>
    %dma_wait3A_238 = arith.constant 0 : i32
    %dma_wait3A_239 = arith.constant 0 : i32
    %dma_wait3A_240 = tpu.memref_slice %arg7[%dma_wait3A_238, %dma_wait3A_239] : memref<262144x128xf32, #tpu.memory_space<hbm>> -> memref<128x128xf32, #tpu.memory_space<hbm>>
    %dma_wait3A_241 = arith.constant 0 : i32
    %dma_wait3A_242 = arith.constant 0 : i32
    %dma_wait3A_243 = tpu.memref_slice %arg7[%dma_wait3A_241, %dma_wait3A_242] : memref<262144x128xf32, #tpu.memory_space<hbm>> -> memref<128x128xf32, #tpu.memory_space<hbm>>
    %dma_wait3A_244 = arith.constant 0 : i32
    %dma_wait3A_245 = arith.constant 80 : i32
    %dma_wait3A_246 = tpu.memref_slice %arg13[%dma_wait3A_244, %dma_wait3A_245] : memref<128x208xf32, #tpu.memory_space<vmem>> -> memref<128x128xf32, #tpu.memory_space<vmem>>
    tpu.wait_dma2 semaphore(%arg25 : memref<!tpu.dma_semaphore, #tpu.memory_space<semaphore_mem>>) src(%dma_wait3A_246 : memref<128x128xf32, #tpu.memory_space<vmem>>) dst(%dma_wait3A_243 : memref<128x128xf32, #tpu.memory_space<hbm>>)
    %dma_wait3A_247 = arith.constant 0 : i32
    %dma_wait3A_248 = arith.constant 0 : i32
    %dma_wait3A_249 = tpu.memref_slice %arg14[%dma_wait3A_247, %dma_wait3A_248] : memref<128x208xf32, #tpu.memory_space<vmem>> -> memref<128x128xf32, #tpu.memory_space<vmem>>
    %dma_wait3A_250 = arith.constant 0 : i32
    %dma_wait3A_251 = arith.constant 0 : i32
    %dma_wait3A_252 = tpu.memref_slice %arg6[%dma_wait3A_250, %dma_wait3A_251] : memref<262144x128xf32, #tpu.memory_space<hbm>> -> memref<128x128xf32, #tpu.memory_space<hbm>>
    %dma_wait3A_253 = arith.constant 0 : i32
    %dma_wait3A_254 = arith.constant 0 : i32
    %dma_wait3A_255 = tpu.memref_slice %arg6[%dma_wait3A_253, %dma_wait3A_254] : memref<262144x128xf32, #tpu.memory_space<hbm>> -> memref<128x128xf32, #tpu.memory_space<hbm>>
    %dma_wait3A_256 = arith.constant 0 : i32
    %dma_wait3A_257 = arith.constant 0 : i32
    %dma_wait3A_258 = tpu.memref_slice %arg14[%dma_wait3A_256, %dma_wait3A_257] : memref<128x208xf32, #tpu.memory_space<vmem>> -> memref<128x128xf32, #tpu.memory_space<vmem>>
    tpu.wait_dma2 semaphore(%arg22 : memref<!tpu.dma_semaphore, #tpu.memory_space<semaphore_mem>>) src(%dma_wait3A_258 : memref<128x128xf32, #tpu.memory_space<vmem>>) dst(%dma_wait3A_255 : memref<128x128xf32, #tpu.memory_space<hbm>>)
    %dma_wait3A_259 = arith.constant 0 : i32
    %dma_wait3A_260 = arith.constant 80 : i32
    %dma_wait3A_261 = tpu.memref_slice %arg14[%dma_wait3A_259, %dma_wait3A_260] : memref<128x208xf32, #tpu.memory_space<vmem>> -> memref<128x128xf32, #tpu.memory_space<vmem>>
    %dma_wait3A_262 = arith.constant 0 : i32
    %dma_wait3A_263 = arith.constant 0 : i32
    %dma_wait3A_264 = tpu.memref_slice %arg7[%dma_wait3A_262, %dma_wait3A_263] : memref<262144x128xf32, #tpu.memory_space<hbm>> -> memref<128x128xf32, #tpu.memory_space<hbm>>
    %dma_wait3A_265 = arith.constant 0 : i32
    %dma_wait3A_266 = arith.constant 0 : i32
    %dma_wait3A_267 = tpu.memref_slice %arg7[%dma_wait3A_265, %dma_wait3A_266] : memref<262144x128xf32, #tpu.memory_space<hbm>> -> memref<128x128xf32, #tpu.memory_space<hbm>>
    %dma_wait3A_268 = arith.constant 0 : i32
    %dma_wait3A_269 = arith.constant 80 : i32
    %dma_wait3A_270 = tpu.memref_slice %arg14[%dma_wait3A_268, %dma_wait3A_269] : memref<128x208xf32, #tpu.memory_space<vmem>> -> memref<128x128xf32, #tpu.memory_space<vmem>>
    tpu.wait_dma2 semaphore(%arg26 : memref<!tpu.dma_semaphore, #tpu.memory_space<semaphore_mem>>) src(%dma_wait3A_270 : memref<128x128xf32, #tpu.memory_space<vmem>>) dst(%dma_wait3A_267 : memref<128x128xf32, #tpu.memory_space<hbm>>)
    %dma_wait3A_271 = arith.constant 0 : i32
    %dma_wait3A_272 = arith.constant 0 : i32
    %dma_wait3A_273 = tpu.memref_slice %arg15[%dma_wait3A_271, %dma_wait3A_272] : memref<128x208xf32, #tpu.memory_space<vmem>> -> memref<128x128xf32, #tpu.memory_space<vmem>>
    %dma_wait3A_274 = arith.constant 0 : i32
    %dma_wait3A_275 = arith.constant 0 : i32
    %dma_wait3A_276 = tpu.memref_slice %arg6[%dma_wait3A_274, %dma_wait3A_275] : memref<262144x128xf32, #tpu.memory_space<hbm>> -> memref<128x128xf32, #tpu.memory_space<hbm>>
    %dma_wait3A_277 = arith.constant 0 : i32
    %dma_wait3A_278 = arith.constant 0 : i32
    %dma_wait3A_279 = tpu.memref_slice %arg6[%dma_wait3A_277, %dma_wait3A_278] : memref<262144x128xf32, #tpu.memory_space<hbm>> -> memref<128x128xf32, #tpu.memory_space<hbm>>
    %dma_wait3A_280 = arith.constant 0 : i32
    %dma_wait3A_281 = arith.constant 0 : i32
    %dma_wait3A_282 = tpu.memref_slice %arg15[%dma_wait3A_280, %dma_wait3A_281] : memref<128x208xf32, #tpu.memory_space<vmem>> -> memref<128x128xf32, #tpu.memory_space<vmem>>
    tpu.wait_dma2 semaphore(%arg23 : memref<!tpu.dma_semaphore, #tpu.memory_space<semaphore_mem>>) src(%dma_wait3A_282 : memref<128x128xf32, #tpu.memory_space<vmem>>) dst(%dma_wait3A_279 : memref<128x128xf32, #tpu.memory_space<hbm>>)
    %dma_wait3A_283 = arith.constant 0 : i32
    %dma_wait3A_284 = arith.constant 80 : i32
    %dma_wait3A_285 = tpu.memref_slice %arg15[%dma_wait3A_283, %dma_wait3A_284] : memref<128x208xf32, #tpu.memory_space<vmem>> -> memref<128x128xf32, #tpu.memory_space<vmem>>
    %dma_wait3A_286 = arith.constant 0 : i32
    %dma_wait3A_287 = arith.constant 0 : i32
    %dma_wait3A_288 = tpu.memref_slice %arg7[%dma_wait3A_286, %dma_wait3A_287] : memref<262144x128xf32, #tpu.memory_space<hbm>> -> memref<128x128xf32, #tpu.memory_space<hbm>>
    %dma_wait3A_289 = arith.constant 0 : i32
    %dma_wait3A_290 = arith.constant 0 : i32
    %dma_wait3A_291 = tpu.memref_slice %arg7[%dma_wait3A_289, %dma_wait3A_290] : memref<262144x128xf32, #tpu.memory_space<hbm>> -> memref<128x128xf32, #tpu.memory_space<hbm>>
    %dma_wait3A_292 = arith.constant 0 : i32
    %dma_wait3A_293 = arith.constant 80 : i32
    %dma_wait3A_294 = tpu.memref_slice %arg15[%dma_wait3A_292, %dma_wait3A_293] : memref<128x208xf32, #tpu.memory_space<vmem>> -> memref<128x128xf32, #tpu.memory_space<vmem>>
    tpu.wait_dma2 semaphore(%arg27 : memref<!tpu.dma_semaphore, #tpu.memory_space<semaphore_mem>>) src(%dma_wait3A_294 : memref<128x128xf32, #tpu.memory_space<vmem>>) dst(%dma_wait3A_291 : memref<128x128xf32, #tpu.memory_space<hbm>>)
    "tpu.trace_stop"() : () -> ()
    return
  }
}

module attributes {stable_mosaic.version = 14 : i64} {
  func.func @_a1_body(%arg0: i32, %arg1: memref<400x200xf32, #tpu.memory_space<vmem>>, %arg2: memref<200x8x200xf32, #tpu.memory_space<vmem>>, %arg3: memref<8x400x208xf32, #tpu.memory_space<vmem>>) attributes {dimension_semantics = [#tpu.dimension_semantics<arbitrary>], iteration_bounds = array<i64: 15>, scalar_prefetch = 0 : i64, scratch_operands = 0 : i64, tpu.core_type = #tpu.core_type<tc>, window_params = [{pipeline_mode = #tpu.pipeline_mode<synchronous>, transform_indices = @transform_0, window_bounds = array<i64: 400, 200>}, {transform_indices = @transform_1, window_bounds = array<i64: 200, 8, 200>}, {transform_indices = @transform_2, window_bounds = array<i64: 8, 400, 208>}]} {
    %get3A = arith.constant 0 : index
    %get3A_0 = arith.constant 0 : index
    %get3A_1 = arith.constant 0 : index
    %get3A_2 = vector.load %arg2[%get3A, %get3A_0, %get3A_1] : memref<200x8x200xf32, #tpu.memory_space<vmem>>, vector<200x1x200xf32>
    %get3A_3 = vector.shape_cast %get3A_2 : vector<200x1x200xf32> to vector<200x200xf32>
    %get3A_4 = arith.constant 0 : index
    %get3A_5 = arith.constant 0 : index
    %get3A_6 = vector.load %arg1[%get3A_4, %get3A_5] : memref<400x200xf32, #tpu.memory_space<vmem>>, vector<400x200xf32>
    %dot_general3A = arith.constant dense<0.000000e+00> : vector<400x200xf32>
    %dot_general3A_7 = tpu.matmul %get3A_6, %get3A_3, %dot_general3A {dimension_numbers = #tpu.dot_dimension_numbers<[1], [1], [0], [0], [0, 0, 1, 0], [], []>, precision = #tpu.contract_precision<fp32>, transpose_lhs_hint = false} : vector<400x200xf32>, vector<200x200xf32>, vector<400x200xf32> -> vector<400x200xf32>
    %swap3A = arith.constant 0 : index
    %swap3A_8 = arith.constant 0 : index
    %swap3A_9 = arith.constant 0 : index
    %swap3A_10 = vector.load %arg3[%swap3A, %swap3A_8, %swap3A_9] : memref<8x400x208xf32, #tpu.memory_space<vmem>>, vector<1x400x200xf32>
    %swap3A_11 = vector.shape_cast %swap3A_10 : vector<1x400x200xf32> to vector<400x200xf32>
    %swap3A_12 = vector.shape_cast %dot_general3A_7 : vector<400x200xf32> to vector<1x400x200xf32>
    tpu.vector_store %arg3[%swap3A, %swap3A_8, %swap3A_9], %swap3A_12 {strides = array<i32>} : memref<8x400x208xf32, #tpu.memory_space<vmem>>, vector<1x400x200xf32>,
    %broadcast_in_dim3A = arith.constant 0.000000e+00 : f32
    %broadcast_in_dim3A_13 = vector.broadcast %broadcast_in_dim3A : f32 to vector<400x8xf32>
    %swap3A_14 = arith.constant 0 : index
    %swap3A_15 = arith.constant 0 : index
    %swap3A_16 = arith.constant 200 : index
    %swap3A_17 = vector.load %arg3[%swap3A_14, %swap3A_15, %swap3A_16] : memref<8x400x208xf32, #tpu.memory_space<vmem>>, vector<1x400x8xf32>
    %swap3A_18 = vector.shape_cast %swap3A_17 : vector<1x400x8xf32> to vector<400x8xf32>
    %swap3A_19 = vector.shape_cast %broadcast_in_dim3A_13 : vector<400x8xf32> to vector<1x400x8xf32>
    tpu.vector_store %arg3[%swap3A_14, %swap3A_15, %swap3A_16], %swap3A_19 {strides = array<i32>} : memref<8x400x208xf32, #tpu.memory_space<vmem>>, vector<1x400x8xf32>,
    %get3A_20 = arith.constant 0 : index
    %get3A_21 = arith.constant 1 : index
    %get3A_22 = arith.constant 0 : index
    %get3A_23 = vector.load %arg2[%get3A_20, %get3A_21, %get3A_22] : memref<200x8x200xf32, #tpu.memory_space<vmem>>, vector<200x1x200xf32>
    %get3A_24 = vector.shape_cast %get3A_23 : vector<200x1x200xf32> to vector<200x200xf32>
    %get3A_25 = arith.constant 0 : index
    %get3A_26 = arith.constant 0 : index
    %get3A_27 = vector.load %arg1[%get3A_25, %get3A_26] : memref<400x200xf32, #tpu.memory_space<vmem>>, vector<400x200xf32>
    %dot_general3A_28 = arith.constant dense<0.000000e+00> : vector<400x200xf32>
    %dot_general3A_29 = tpu.matmul %get3A_27, %get3A_24, %dot_general3A_28 {dimension_numbers = #tpu.dot_dimension_numbers<[1], [1], [0], [0], [0, 0, 1, 0], [], []>, precision = #tpu.contract_precision<fp32>, transpose_lhs_hint = false} : vector<400x200xf32>, vector<200x200xf32>, vector<400x200xf32> -> vector<400x200xf32>
    %swap3A_30 = arith.constant 1 : index
    %swap3A_31 = arith.constant 0 : index
    %swap3A_32 = arith.constant 0 : index
    %swap3A_33 = vector.load %arg3[%swap3A_30, %swap3A_31, %swap3A_32] : memref<8x400x208xf32, #tpu.memory_space<vmem>>, vector<1x400x200xf32>
    %swap3A_34 = vector.shape_cast %swap3A_33 : vector<1x400x200xf32> to vector<400x200xf32>
    %swap3A_35 = vector.shape_cast %dot_general3A_29 : vector<400x200xf32> to vector<1x400x200xf32>
    tpu.vector_store %arg3[%swap3A_30, %swap3A_31, %swap3A_32], %swap3A_35 {strides = array<i32>} : memref<8x400x208xf32, #tpu.memory_space<vmem>>, vector<1x400x200xf32>,
    %broadcast_in_dim3A_36 = arith.constant 0.000000e+00 : f32
    %broadcast_in_dim3A_37 = vector.broadcast %broadcast_in_dim3A_36 : f32 to vector<400x8xf32>
    %swap3A_38 = arith.constant 1 : index
    %swap3A_39 = arith.constant 0 : index
    %swap3A_40 = arith.constant 200 : index
    %swap3A_41 = vector.load %arg3[%swap3A_38, %swap3A_39, %swap3A_40] : memref<8x400x208xf32, #tpu.memory_space<vmem>>, vector<1x400x8xf32>
    %swap3A_42 = vector.shape_cast %swap3A_41 : vector<1x400x8xf32> to vector<400x8xf32>
    %swap3A_43 = vector.shape_cast %broadcast_in_dim3A_37 : vector<400x8xf32> to vector<1x400x8xf32>
    tpu.vector_store %arg3[%swap3A_38, %swap3A_39, %swap3A_40], %swap3A_43 {strides = array<i32>} : memref<8x400x208xf32, #tpu.memory_space<vmem>>, vector<1x400x8xf32>,
    %get3A_44 = arith.constant 0 : index
    %get3A_45 = arith.constant 2 : index
    %get3A_46 = arith.constant 0 : index
    %get3A_47 = vector.load %arg2[%get3A_44, %get3A_45, %get3A_46] : memref<200x8x200xf32, #tpu.memory_space<vmem>>, vector<200x1x200xf32>
    %get3A_48 = vector.shape_cast %get3A_47 : vector<200x1x200xf32> to vector<200x200xf32>
    %get3A_49 = arith.constant 0 : index
    %get3A_50 = arith.constant 0 : index
    %get3A_51 = vector.load %arg1[%get3A_49, %get3A_50] : memref<400x200xf32, #tpu.memory_space<vmem>>, vector<400x200xf32>
    %dot_general3A_52 = arith.constant dense<0.000000e+00> : vector<400x200xf32>
    %dot_general3A_53 = tpu.matmul %get3A_51, %get3A_48, %dot_general3A_52 {dimension_numbers = #tpu.dot_dimension_numbers<[1], [1], [0], [0], [0, 0, 1, 0], [], []>, precision = #tpu.contract_precision<fp32>, transpose_lhs_hint = false} : vector<400x200xf32>, vector<200x200xf32>, vector<400x200xf32> -> vector<400x200xf32>
    %swap3A_54 = arith.constant 2 : index
    %swap3A_55 = arith.constant 0 : index
    %swap3A_56 = arith.constant 0 : index
    %swap3A_57 = vector.load %arg3[%swap3A_54, %swap3A_55, %swap3A_56] : memref<8x400x208xf32, #tpu.memory_space<vmem>>, vector<1x400x200xf32>
    %swap3A_58 = vector.shape_cast %swap3A_57 : vector<1x400x200xf32> to vector<400x200xf32>
    %swap3A_59 = vector.shape_cast %dot_general3A_53 : vector<400x200xf32> to vector<1x400x200xf32>
    tpu.vector_store %arg3[%swap3A_54, %swap3A_55, %swap3A_56], %swap3A_59 {strides = array<i32>} : memref<8x400x208xf32, #tpu.memory_space<vmem>>, vector<1x400x200xf32>,
    %broadcast_in_dim3A_60 = arith.constant 0.000000e+00 : f32
    %broadcast_in_dim3A_61 = vector.broadcast %broadcast_in_dim3A_60 : f32 to vector<400x8xf32>
    %swap3A_62 = arith.constant 2 : index
    %swap3A_63 = arith.constant 0 : index
    %swap3A_64 = arith.constant 200 : index
    %swap3A_65 = vector.load %arg3[%swap3A_62, %swap3A_63, %swap3A_64] : memref<8x400x208xf32, #tpu.memory_space<vmem>>, vector<1x400x8xf32>
    %swap3A_66 = vector.shape_cast %swap3A_65 : vector<1x400x8xf32> to vector<400x8xf32>
    %swap3A_67 = vector.shape_cast %broadcast_in_dim3A_61 : vector<400x8xf32> to vector<1x400x8xf32>
    tpu.vector_store %arg3[%swap3A_62, %swap3A_63, %swap3A_64], %swap3A_67 {strides = array<i32>} : memref<8x400x208xf32, #tpu.memory_space<vmem>>, vector<1x400x8xf32>,
    %get3A_68 = arith.constant 0 : index
    %get3A_69 = arith.constant 3 : index
    %get3A_70 = arith.constant 0 : index
    %get3A_71 = vector.load %arg2[%get3A_68, %get3A_69, %get3A_70] : memref<200x8x200xf32, #tpu.memory_space<vmem>>, vector<200x1x200xf32>
    %get3A_72 = vector.shape_cast %get3A_71 : vector<200x1x200xf32> to vector<200x200xf32>
    %get3A_73 = arith.constant 0 : index
    %get3A_74 = arith.constant 0 : index
    %get3A_75 = vector.load %arg1[%get3A_73, %get3A_74] : memref<400x200xf32, #tpu.memory_space<vmem>>, vector<400x200xf32>
    %dot_general3A_76 = arith.constant dense<0.000000e+00> : vector<400x200xf32>
    %dot_general3A_77 = tpu.matmul %get3A_75, %get3A_72, %dot_general3A_76 {dimension_numbers = #tpu.dot_dimension_numbers<[1], [1], [0], [0], [0, 0, 1, 0], [], []>, precision = #tpu.contract_precision<fp32>, transpose_lhs_hint = false} : vector<400x200xf32>, vector<200x200xf32>, vector<400x200xf32> -> vector<400x200xf32>
    %swap3A_78 = arith.constant 3 : index
    %swap3A_79 = arith.constant 0 : index
    %swap3A_80 = arith.constant 0 : index
    %swap3A_81 = vector.load %arg3[%swap3A_78, %swap3A_79, %swap3A_80] : memref<8x400x208xf32, #tpu.memory_space<vmem>>, vector<1x400x200xf32>
    %swap3A_82 = vector.shape_cast %swap3A_81 : vector<1x400x200xf32> to vector<400x200xf32>
    %swap3A_83 = vector.shape_cast %dot_general3A_77 : vector<400x200xf32> to vector<1x400x200xf32>
    tpu.vector_store %arg3[%swap3A_78, %swap3A_79, %swap3A_80], %swap3A_83 {strides = array<i32>} : memref<8x400x208xf32, #tpu.memory_space<vmem>>, vector<1x400x200xf32>,
    %broadcast_in_dim3A_84 = arith.constant 0.000000e+00 : f32
    %broadcast_in_dim3A_85 = vector.broadcast %broadcast_in_dim3A_84 : f32 to vector<400x8xf32>
    %swap3A_86 = arith.constant 3 : index
    %swap3A_87 = arith.constant 0 : index
    %swap3A_88 = arith.constant 200 : index
    %swap3A_89 = vector.load %arg3[%swap3A_86, %swap3A_87, %swap3A_88] : memref<8x400x208xf32, #tpu.memory_space<vmem>>, vector<1x400x8xf32>
    %swap3A_90 = vector.shape_cast %swap3A_89 : vector<1x400x8xf32> to vector<400x8xf32>
    %swap3A_91 = vector.shape_cast %broadcast_in_dim3A_85 : vector<400x8xf32> to vector<1x400x8xf32>
    tpu.vector_store %arg3[%swap3A_86, %swap3A_87, %swap3A_88], %swap3A_91 {strides = array<i32>} : memref<8x400x208xf32, #tpu.memory_space<vmem>>, vector<1x400x8xf32>,
    %get3A_92 = arith.constant 0 : index
    %get3A_93 = arith.constant 4 : index
    %get3A_94 = arith.constant 0 : index
    %get3A_95 = vector.load %arg2[%get3A_92, %get3A_93, %get3A_94] : memref<200x8x200xf32, #tpu.memory_space<vmem>>, vector<200x1x200xf32>
    %get3A_96 = vector.shape_cast %get3A_95 : vector<200x1x200xf32> to vector<200x200xf32>
    %get3A_97 = arith.constant 0 : index
    %get3A_98 = arith.constant 0 : index
    %get3A_99 = vector.load %arg1[%get3A_97, %get3A_98] : memref<400x200xf32, #tpu.memory_space<vmem>>, vector<400x200xf32>
    %dot_general3A_100 = arith.constant dense<0.000000e+00> : vector<400x200xf32>
    %dot_general3A_101 = tpu.matmul %get3A_99, %get3A_96, %dot_general3A_100 {dimension_numbers = #tpu.dot_dimension_numbers<[1], [1], [0], [0], [0, 0, 1, 0], [], []>, precision = #tpu.contract_precision<fp32>, transpose_lhs_hint = false} : vector<400x200xf32>, vector<200x200xf32>, vector<400x200xf32> -> vector<400x200xf32>
    %swap3A_102 = arith.constant 4 : index
    %swap3A_103 = arith.constant 0 : index
    %swap3A_104 = arith.constant 0 : index
    %swap3A_105 = vector.load %arg3[%swap3A_102, %swap3A_103, %swap3A_104] : memref<8x400x208xf32, #tpu.memory_space<vmem>>, vector<1x400x200xf32>
    %swap3A_106 = vector.shape_cast %swap3A_105 : vector<1x400x200xf32> to vector<400x200xf32>
    %swap3A_107 = vector.shape_cast %dot_general3A_101 : vector<400x200xf32> to vector<1x400x200xf32>
    tpu.vector_store %arg3[%swap3A_102, %swap3A_103, %swap3A_104], %swap3A_107 {strides = array<i32>} : memref<8x400x208xf32, #tpu.memory_space<vmem>>, vector<1x400x200xf32>,
    %broadcast_in_dim3A_108 = arith.constant 0.000000e+00 : f32
    %broadcast_in_dim3A_109 = vector.broadcast %broadcast_in_dim3A_108 : f32 to vector<400x8xf32>
    %swap3A_110 = arith.constant 4 : index
    %swap3A_111 = arith.constant 0 : index
    %swap3A_112 = arith.constant 200 : index
    %swap3A_113 = vector.load %arg3[%swap3A_110, %swap3A_111, %swap3A_112] : memref<8x400x208xf32, #tpu.memory_space<vmem>>, vector<1x400x8xf32>
    %swap3A_114 = vector.shape_cast %swap3A_113 : vector<1x400x8xf32> to vector<400x8xf32>
    %swap3A_115 = vector.shape_cast %broadcast_in_dim3A_109 : vector<400x8xf32> to vector<1x400x8xf32>
    tpu.vector_store %arg3[%swap3A_110, %swap3A_111, %swap3A_112], %swap3A_115 {strides = array<i32>} : memref<8x400x208xf32, #tpu.memory_space<vmem>>, vector<1x400x8xf32>,
    %get3A_116 = arith.constant 0 : index
    %get3A_117 = arith.constant 5 : index
    %get3A_118 = arith.constant 0 : index
    %get3A_119 = vector.load %arg2[%get3A_116, %get3A_117, %get3A_118] : memref<200x8x200xf32, #tpu.memory_space<vmem>>, vector<200x1x200xf32>
    %get3A_120 = vector.shape_cast %get3A_119 : vector<200x1x200xf32> to vector<200x200xf32>
    %get3A_121 = arith.constant 0 : index
    %get3A_122 = arith.constant 0 : index
    %get3A_123 = vector.load %arg1[%get3A_121, %get3A_122] : memref<400x200xf32, #tpu.memory_space<vmem>>, vector<400x200xf32>
    %dot_general3A_124 = arith.constant dense<0.000000e+00> : vector<400x200xf32>
    %dot_general3A_125 = tpu.matmul %get3A_123, %get3A_120, %dot_general3A_124 {dimension_numbers = #tpu.dot_dimension_numbers<[1], [1], [0], [0], [0, 0, 1, 0], [], []>, precision = #tpu.contract_precision<fp32>, transpose_lhs_hint = false} : vector<400x200xf32>, vector<200x200xf32>, vector<400x200xf32> -> vector<400x200xf32>
    %swap3A_126 = arith.constant 5 : index
    %swap3A_127 = arith.constant 0 : index
    %swap3A_128 = arith.constant 0 : index
    %swap3A_129 = vector.load %arg3[%swap3A_126, %swap3A_127, %swap3A_128] : memref<8x400x208xf32, #tpu.memory_space<vmem>>, vector<1x400x200xf32>
    %swap3A_130 = vector.shape_cast %swap3A_129 : vector<1x400x200xf32> to vector<400x200xf32>
    %swap3A_131 = vector.shape_cast %dot_general3A_125 : vector<400x200xf32> to vector<1x400x200xf32>
    tpu.vector_store %arg3[%swap3A_126, %swap3A_127, %swap3A_128], %swap3A_131 {strides = array<i32>} : memref<8x400x208xf32, #tpu.memory_space<vmem>>, vector<1x400x200xf32>,
    %broadcast_in_dim3A_132 = arith.constant 0.000000e+00 : f32
    %broadcast_in_dim3A_133 = vector.broadcast %broadcast_in_dim3A_132 : f32 to vector<400x8xf32>
    %swap3A_134 = arith.constant 5 : index
    %swap3A_135 = arith.constant 0 : index
    %swap3A_136 = arith.constant 200 : index
    %swap3A_137 = vector.load %arg3[%swap3A_134, %swap3A_135, %swap3A_136] : memref<8x400x208xf32, #tpu.memory_space<vmem>>, vector<1x400x8xf32>
    %swap3A_138 = vector.shape_cast %swap3A_137 : vector<1x400x8xf32> to vector<400x8xf32>
    %swap3A_139 = vector.shape_cast %broadcast_in_dim3A_133 : vector<400x8xf32> to vector<1x400x8xf32>
    tpu.vector_store %arg3[%swap3A_134, %swap3A_135, %swap3A_136], %swap3A_139 {strides = array<i32>} : memref<8x400x208xf32, #tpu.memory_space<vmem>>, vector<1x400x8xf32>,
    %get3A_140 = arith.constant 0 : index
    %get3A_141 = arith.constant 6 : index
    %get3A_142 = arith.constant 0 : index
    %get3A_143 = vector.load %arg2[%get3A_140, %get3A_141, %get3A_142] : memref<200x8x200xf32, #tpu.memory_space<vmem>>, vector<200x1x200xf32>
    %get3A_144 = vector.shape_cast %get3A_143 : vector<200x1x200xf32> to vector<200x200xf32>
    %get3A_145 = arith.constant 0 : index
    %get3A_146 = arith.constant 0 : index
    %get3A_147 = vector.load %arg1[%get3A_145, %get3A_146] : memref<400x200xf32, #tpu.memory_space<vmem>>, vector<400x200xf32>
    %dot_general3A_148 = arith.constant dense<0.000000e+00> : vector<400x200xf32>
    %dot_general3A_149 = tpu.matmul %get3A_147, %get3A_144, %dot_general3A_148 {dimension_numbers = #tpu.dot_dimension_numbers<[1], [1], [0], [0], [0, 0, 1, 0], [], []>, precision = #tpu.contract_precision<fp32>, transpose_lhs_hint = false} : vector<400x200xf32>, vector<200x200xf32>, vector<400x200xf32> -> vector<400x200xf32>
    %swap3A_150 = arith.constant 6 : index
    %swap3A_151 = arith.constant 0 : index
    %swap3A_152 = arith.constant 0 : index
    %swap3A_153 = vector.load %arg3[%swap3A_150, %swap3A_151, %swap3A_152] : memref<8x400x208xf32, #tpu.memory_space<vmem>>, vector<1x400x200xf32>
    %swap3A_154 = vector.shape_cast %swap3A_153 : vector<1x400x200xf32> to vector<400x200xf32>
    %swap3A_155 = vector.shape_cast %dot_general3A_149 : vector<400x200xf32> to vector<1x400x200xf32>
    tpu.vector_store %arg3[%swap3A_150, %swap3A_151, %swap3A_152], %swap3A_155 {strides = array<i32>} : memref<8x400x208xf32, #tpu.memory_space<vmem>>, vector<1x400x200xf32>,
    %broadcast_in_dim3A_156 = arith.constant 0.000000e+00 : f32
    %broadcast_in_dim3A_157 = vector.broadcast %broadcast_in_dim3A_156 : f32 to vector<400x8xf32>
    %swap3A_158 = arith.constant 6 : index
    %swap3A_159 = arith.constant 0 : index
    %swap3A_160 = arith.constant 200 : index
    %swap3A_161 = vector.load %arg3[%swap3A_158, %swap3A_159, %swap3A_160] : memref<8x400x208xf32, #tpu.memory_space<vmem>>, vector<1x400x8xf32>
    %swap3A_162 = vector.shape_cast %swap3A_161 : vector<1x400x8xf32> to vector<400x8xf32>
    %swap3A_163 = vector.shape_cast %broadcast_in_dim3A_157 : vector<400x8xf32> to vector<1x400x8xf32>
    tpu.vector_store %arg3[%swap3A_158, %swap3A_159, %swap3A_160], %swap3A_163 {strides = array<i32>} : memref<8x400x208xf32, #tpu.memory_space<vmem>>, vector<1x400x8xf32>,
    %get3A_164 = arith.constant 0 : index
    %get3A_165 = arith.constant 7 : index
    %get3A_166 = arith.constant 0 : index
    %get3A_167 = vector.load %arg2[%get3A_164, %get3A_165, %get3A_166] : memref<200x8x200xf32, #tpu.memory_space<vmem>>, vector<200x1x200xf32>
    %get3A_168 = vector.shape_cast %get3A_167 : vector<200x1x200xf32> to vector<200x200xf32>
    %get3A_169 = arith.constant 0 : index
    %get3A_170 = arith.constant 0 : index
    %get3A_171 = vector.load %arg1[%get3A_169, %get3A_170] : memref<400x200xf32, #tpu.memory_space<vmem>>, vector<400x200xf32>
    %dot_general3A_172 = arith.constant dense<0.000000e+00> : vector<400x200xf32>
    %dot_general3A_173 = tpu.matmul %get3A_171, %get3A_168, %dot_general3A_172 {dimension_numbers = #tpu.dot_dimension_numbers<[1], [1], [0], [0], [0, 0, 1, 0], [], []>, precision = #tpu.contract_precision<fp32>, transpose_lhs_hint = false} : vector<400x200xf32>, vector<200x200xf32>, vector<400x200xf32> -> vector<400x200xf32>
    %swap3A_174 = arith.constant 7 : index
    %swap3A_175 = arith.constant 0 : index
    %swap3A_176 = arith.constant 0 : index
    %swap3A_177 = vector.load %arg3[%swap3A_174, %swap3A_175, %swap3A_176] : memref<8x400x208xf32, #tpu.memory_space<vmem>>, vector<1x400x200xf32>
    %swap3A_178 = vector.shape_cast %swap3A_177 : vector<1x400x200xf32> to vector<400x200xf32>
    %swap3A_179 = vector.shape_cast %dot_general3A_173 : vector<400x200xf32> to vector<1x400x200xf32>
    tpu.vector_store %arg3[%swap3A_174, %swap3A_175, %swap3A_176], %swap3A_179 {strides = array<i32>} : memref<8x400x208xf32, #tpu.memory_space<vmem>>, vector<1x400x200xf32>,
    %broadcast_in_dim3A_180 = arith.constant 0.000000e+00 : f32
    %broadcast_in_dim3A_181 = vector.broadcast %broadcast_in_dim3A_180 : f32 to vector<400x8xf32>
    %swap3A_182 = arith.constant 7 : index
    %swap3A_183 = arith.constant 0 : index
    %swap3A_184 = arith.constant 200 : index
    %swap3A_185 = vector.load %arg3[%swap3A_182, %swap3A_183, %swap3A_184] : memref<8x400x208xf32, #tpu.memory_space<vmem>>, vector<1x400x8xf32>
    %swap3A_186 = vector.shape_cast %swap3A_185 : vector<1x400x8xf32> to vector<400x8xf32>
    %swap3A_187 = vector.shape_cast %broadcast_in_dim3A_181 : vector<400x8xf32> to vector<1x400x8xf32>
    tpu.vector_store %arg3[%swap3A_182, %swap3A_183, %swap3A_184], %swap3A_187 {strides = array<i32>} : memref<8x400x208xf32, #tpu.memory_space<vmem>>, vector<1x400x8xf32>,
    %eq3A = arith.constant 14 : i32
    %eq3A_188 = arith.cmpi eq, %arg0, %eq3A : i32
    %convert_element_type3A = arith.extui %eq3A_188 : i1 to i32
    %cond3A = arith.constant 0 : i32
    %cond3A_189 = arith.cmpi ne, %convert_element_type3A, %cond3A : i32
    scf.if %cond3A_189 {
      %broadcast_in_dim3A_190 = arith.constant 0.000000e+00 : f32
      %broadcast_in_dim3A_191 = vector.broadcast %broadcast_in_dim3A_190 : f32 to vector<7x400x208xf32>
      %swap3A_192 = arith.constant 1 : index
      %swap3A_193 = arith.constant 0 : index
      %swap3A_194 = arith.constant 0 : index
      %swap3A_195 = vector.load %arg3[%swap3A_192, %swap3A_193, %swap3A_194] : memref<8x400x208xf32, #tpu.memory_space<vmem>>, vector<7x400x208xf32>
      tpu.vector_store %arg3[%swap3A_192, %swap3A_193, %swap3A_194], %broadcast_in_dim3A_191 {strides = array<i32>} : memref<8x400x208xf32, #tpu.memory_space<vmem>>, vector<7x400x208xf32>,
    } else {
    }
    return
  }
  func.func @transform_0(%arg0: i32) -> (i32, i32) {
    %c0_i32 = arith.constant 0 : i32
    %c0_i32_0 = arith.constant 0 : i32
    %c0_i32_1 = arith.constant 0 : i32
    return %c0_i32, %c0_i32_0 : i32, i32
  }
  func.func @transform_1(%arg0: i32) -> (i32, i32, i32) {
    %c0_i32 = arith.constant 0 : i32
    %c0_i32_0 = arith.constant 0 : i32
    %c0_i32_1 = arith.constant 0 : i32
    return %c0_i32, %arg0, %c0_i32_0 : i32, i32, i32
  }
  func.func @transform_2(%arg0: i32) -> (i32, i32, i32) {
    %c0_i32 = arith.constant 0 : i32
    %c0_i32_0 = arith.constant 0 : i32
    %c0_i32_1 = arith.constant 0 : i32
    return %arg0, %c0_i32, %c0_i32_0 : i32, i32, i32
  }
}

module attributes {stable_mosaic.version = 14 : i64} {
  func.func @_a2_body(%arg0: i32, %arg1: memref<240x120xf32, #tpu.memory_space<vmem>>, %arg2: memref<120x3328xf32, #tpu.memory_space<vmem>>, %arg3: memref<240x3328xf32, #tpu.memory_space<vmem>>) attributes {dimension_semantics = [#tpu.dimension_semantics<arbitrary>], iteration_bounds = array<i64: 25>, scalar_prefetch = 0 : i64, scratch_operands = 0 : i64, tpu.core_type = #tpu.core_type<tc>, window_params = [{pipeline_mode = #tpu.pipeline_mode<synchronous>, transform_indices = @transform_0, window_bounds = array<i64: 240, 120>}, {transform_indices = @transform_1, window_bounds = array<i64: 120, 3328>}, {transform_indices = @transform_2, window_bounds = array<i64: 240, 3328>}]} {
    %get3A = arith.constant 0 : index
    %get3A_0 = arith.constant 0 : index
    %get3A_1 = vector.load %arg1[%get3A, %get3A_0] : memref<240x120xf32, #tpu.memory_space<vmem>>, vector<240x120xf32>
    %get3A_2 = arith.constant 0 : index
    %get3A_3 = arith.constant 0 : index
    %get3A_4 = vector.load %arg2[%get3A_2, %get3A_3] : memref<120x3328xf32, #tpu.memory_space<vmem>>, vector<120x3328xf32>
    %dot_general3A = arith.constant dense<0.000000e+00> : vector<240x3328xf32>
    %dot_general3A_5 = tpu.matmul %get3A_1, %get3A_4, %dot_general3A {dimension_numbers = #tpu.dot_dimension_numbers<[1], [0], [0], [1], [0, 0, 1, 1], [], []>, precision = #tpu.contract_precision<fp32>, transpose_lhs_hint = false} : vector<240x120xf32>, vector<120x3328xf32>, vector<240x3328xf32> -> vector<240x3328xf32>
    %swap3A = arith.constant 0 : index
    %swap3A_6 = arith.constant 0 : index
    %swap3A_7 = vector.load %arg3[%swap3A, %swap3A_6] : memref<240x3328xf32, #tpu.memory_space<vmem>>, vector<240x3328xf32>
    tpu.vector_store %arg3[%swap3A, %swap3A_6], %dot_general3A_5 {strides = array<i32>} : memref<240x3328xf32, #tpu.memory_space<vmem>>, vector<240x3328xf32>,
    return
  }
  func.func @transform_0(%arg0: i32) -> (i32, i32) {
    %c0_i32 = arith.constant 0 : i32
    %c0_i32_0 = arith.constant 0 : i32
    %c0_i32_1 = arith.constant 0 : i32
    return %c0_i32, %c0_i32_0 : i32, i32
  }
  func.func @transform_1(%arg0: i32) -> (i32, i32) {
    %c0_i32 = arith.constant 0 : i32
    %c0_i32_0 = arith.constant 0 : i32
    return %c0_i32, %arg0 : i32, i32
  }
  func.func @transform_2(%arg0: i32) -> (i32, i32) {
    %c0_i32 = arith.constant 0 : i32
    %c0_i32_0 = arith.constant 0 : i32
    return %c0_i32, %arg0 : i32, i32
  }
}

module attributes {stable_mosaic.version = 14 : i64} {
  func.func @_c_body(%arg0: i32, %arg1: memref<512x128xf32, #tpu.memory_space<vmem>>, %arg2: memref<512x128xf32, #tpu.memory_space<vmem>>, %arg3: memref<200x512xf32, #tpu.memory_space<vmem>>) attributes {dimension_semantics = [#tpu.dimension_semantics<arbitrary>], iteration_bounds = array<i64: 512>, scalar_prefetch = 0 : i64, scratch_operands = 0 : i64, tpu.core_type = #tpu.core_type<tc>, window_params = [{transform_indices = @transform_0, window_bounds = array<i64: 512, 128>}, {transform_indices = @transform_1, window_bounds = array<i64: 512, 128>}, {transform_indices = @transform_2, window_bounds = array<i64: 200, 512>}]} {
    %get3A = arith.constant 0 : index
    %get3A_0 = arith.constant 0 : index
    %get3A_1 = vector.load %arg1[%get3A, %get3A_0] : memref<512x128xf32, #tpu.memory_space<vmem>>, vector<512x128xf32>
    %transpose3A = tpu.transpose %get3A_1, [1, 0] : vector<512x128xf32> -> vector<128x512xf32>
    %swap3A = arith.constant 0 : index
    %swap3A_2 = arith.constant 0 : index
    %swap3A_3 = vector.load %arg3[%swap3A, %swap3A_2] : memref<200x512xf32, #tpu.memory_space<vmem>>, vector<128x512xf32>
    tpu.vector_store %arg3[%swap3A, %swap3A_2], %transpose3A {strides = array<i32>} : memref<200x512xf32, #tpu.memory_space<vmem>>, vector<128x512xf32>,
    %get3A_4 = arith.constant 0 : index
    %get3A_5 = arith.constant 0 : index
    %get3A_6 = vector.load %arg2[%get3A_4, %get3A_5] : memref<512x128xf32, #tpu.memory_space<vmem>>, vector<512x128xf32>
    %transpose3A_7 = tpu.transpose %get3A_6, [1, 0] : vector<512x128xf32> -> vector<128x512xf32>
    %slice3A = vector.extract_strided_slice %transpose3A_7 {offsets = [48, 0], sizes = [72, 512], strides = [1, 1]} : vector<128x512xf32> to vector<72x512xf32>
    %swap3A_8 = arith.constant 128 : index
    %swap3A_9 = arith.constant 0 : index
    %swap3A_10 = vector.load %arg3[%swap3A_8, %swap3A_9] : memref<200x512xf32, #tpu.memory_space<vmem>>, vector<72x512xf32>
    tpu.vector_store %arg3[%swap3A_8, %swap3A_9], %slice3A {strides = array<i32>} : memref<200x512xf32, #tpu.memory_space<vmem>>, vector<72x512xf32>,
    return
  }
  func.func @transform_0(%arg0: i32) -> (i32, i32) {
    %c0_i32 = arith.constant 0 : i32
    %c0_i32_0 = arith.constant 0 : i32
    return %arg0, %c0_i32 : i32, i32
  }
  func.func @transform_1(%arg0: i32) -> (i32, i32) {
    %c0_i32 = arith.constant 0 : i32
    %c0_i32_0 = arith.constant 0 : i32
    return %arg0, %c0_i32 : i32, i32
  }
  func.func @transform_2(%arg0: i32) -> (i32, i32) {
    %c0_i32 = arith.constant 0 : i32
    %c0_i32_0 = arith.constant 0 : i32
    return %c0_i32, %arg0 : i32, i32
  }
}

</mosaic_0001>

<sc_bundles>
// kernel: kernel.6.cloned.1.call-start
scs
__scs_entry_jumppad:
0x0: {  	(pc) =	sbr.rel $0x88, $3  }
0x1: {  	(tag) =	ssettag $0x0;
	lr =	simm.s32 $0x1  }
0x2: {  	[smem:$0x3F9E] =	sst lr;
	_ =	strace $0xD0000000  }
0x3: {  	_ = 	snop  }
0x4: {  	_ = 	snop  }
0x5: {  	_ = 	snop  }
0x6: {  	_ = 	snop  }
0x7: {  	_ = 	snop  }
__scs_overlays_trampoline_lowered:
0x8: {  	[smem:$0x3FAD] =	sst s0  }
0x9: {  	[smem:$0x3FAE] =	sst s1  }
0xa: {  	[smem:$0x3FAF] =	sst s2  }
0xb: {  	[smem:$0x3FB0] =	sst s3  }
0xc: {  	[smem:$0x3FB1] =	sst s4  }
0xd: {  	[smem:$0x3FB2] =	sst s5  }
0xe: {  	[smem:$0x3FB3] =	sst s6  }
0xf: {  	[smem:$0x3FB4] =	sst s7  }
0x10: {  	[smem:$0x3FB5] =	sst s8  }
0x11: {  	[smem:$0x3FB6] =	sst s9;
	s0 =	simm.s32 @!p0 $0x0  }
0x12: {  	s1 =	sld [smem:$0x3F9C];
	s0 =	simm.s32 @p0 $0x1  }
0x13: {  	[smem:$0x3FB7] =	sst s0;
	s0 =	simm.s32 @!p1 $0x0  }
0x14: {  	s2 =	sld [smem:$0x3F9B];
	s0 =	simm.s32 @p1 $0x1  }
0x15: {  	[smem:$0x3FB8] =	sst s0;
	s0 =	simm.s32 @!p2 $0x0  }
0x16: {  	s3 =	sld [smem:$0x3FDB];
	s0 =	simm.s32 @p2 $0x1  }
0x17: {  	s4 =	simm.s32 $0x1BF5;
	[smem:$0x3FBA] =	sst s0  }
0x18: {  	s0 =	sld [smem:$0x3F9D];
	_ =	swait.ge [sflag:s4], $0x0  }
0x19: {  	s7 =	sld [smem:$0x3F9E]  }
0x1a: {  	s8 =	sadd.s32 $0xFFFFE003, lr  }
0x1b: {  	s9 =	sadd.s32 $0xFFFFFEF7, lr;
	s5 =	simm.s32 $0xFFFFFFFF;
	p2 =	slt.u32 s8, $0xFFFFF086  }
0x1c: {  	p1 =	slt.u32 s9, $0xF7A;
	s5 =	simm.s32 @!p2 $0x0  }
0x1d: {  	s5 =	simm.s32 @p1 $0x1;
	p0 =	seq.s32 s7, s2  }
0x1e: {  	s7 =	smul.u32 @!p0 $0xF7A, s2;
	p2 =	seq.s32 @!p0 s5, $0x0  }
0x1f: {  	s9 =	smul.u32 $0xF7A, s1;
	s8 =	simm.s32 @!p0 $0x1BF5;
	p2 =	por !p2, p0  }
0x20: {  	[sflag:s8] =	ssyncset.s32 @!p0 $0xFFFFF086;
	s6 =	sadd.s32 @!p0 s3, s7;
	s7 =	simm.s32 @!p0 $0x108  }
0x21: {  	s3 =	sadd.s32 s3, s9;
	s6 =	sadd.s32 @!p0 $0x88, s6;
	s7 =	simm.s32 @p2 $0x1082  }
0x22: {  	[simem:s7], [sflag:s8] =	dma.local @!p0 [hbm:s6], $0xF7A  }
0x23: {  	s9 =	sor.u32 $0xD0000000, s2;
	s6 =	simm.s32 $0x108;
	_ =	swait.ge @!p0 [sflag:s8], $0x0  }
0x24: {  	s3 =	sadd.s32 $0x88, s3;
	s6 =	simm.s32 @!p1 $0x1082;
	[sflag:s4] =	ssyncset.s32 $0xFFFFF086  }
0x25: {  	[simem:s6], [sflag:s4] =	dma.local [hbm:s3], $0xF7A  }
0x26: {  	[smem:$0x3F9E] =	sst s1;
	(tag) =	ssettag s2;
	_ =	strace s9  }
0x27: {  	s1 =	sld [smem:$0x3FAE]  }
0x28: {  	s2 =	sld [smem:$0x3FAF]  }
0x29: {  	s4 =	sld [smem:$0x3FB1]  }
0x2a: {  	p0 =	seq.s32 s5, $0x0;
	s5 =	sld [smem:$0x3FB2]  }
0x2b: {  	s6 =	sld [smem:$0x3FB3]  }
0x2c: {  	s7 =	sld [smem:$0x3FB4]  }
0x2d: {  	s3 =	simm.s32 $0x108;
	s8 =	sld [smem:$0x3FB5]  }
0x2e: {  	s3 =	simm.s32 @!p0 $0x1082;
	s9 =	sld [smem:$0x3FB6]  }
0x2f: {  	lr =	sadd.s32 s0, s3;
	s0 =	sld [smem:$0x3FAD]  }
0x30: {  	s3 =	sld [smem:$0x3FB0]  }
0x31: {  	[smem:$0x3FB9] =	sst s10  }
0x32: {  	s10 =	sld [smem:$0x3FB7];
	_ =	sdelay $0x3  }
0x33: {  	p0 =	seq.s32 s10, $0x1;
	s10 =	sld [smem:$0x3FB9];
	_ =	sdelay $0x3  }
0x34: {  	[smem:$0x3FB9] =	sst s10  }
0x35: {  	s10 =	sld [smem:$0x3FB8];
	_ =	sdelay $0x3  }
0x36: {  	p1 =	seq.s32 s10, $0x1;
	s10 =	sld [smem:$0x3FB9];
	_ =	sdelay $0x3  }
0x37: {  	[smem:$0x3FB9] =	sst s10  }
0x38: {  	s10 =	sld [smem:$0x3FBA]  }
0x39: {  	_ = 	snop;
	(pc) =	sbr.ind lr, $3  }
0x3a: {  	_ = 	snop  }
0x3b: {  	_ = 	snop  }
0x3c: {  	p2 =	seq.s32 s10, $0x1;
	s10 =	sld [smem:$0x3FB9]  }
0x3d: {  	_ =	shalt  }
0x3e: {  	_ =	shalt  }
0x3f: {  	_ =	shalt  }
0x40: {  	_ =	shalt  }
0x41: {  	_ =	shalt  }
0x42: {  	_ =	shalt  }
0x43: {  	_ =	shalt  }
0x44: {  	_ =	shalt  }
0x45: {  	_ =	shalt  }
0x46: {  	_ =	shalt  }
0x47: {  	_ =	shalt  }
0x48: {  	_ =	shalt  }
0x49: {  	_ =	shalt  }
0x4a: {  	_ =	shalt  }
0x4b: {  	_ =	shalt  }
0x4c: {  	_ =	shalt  }
0x4d: {  	_ =	shalt  }
0x4e: {  	_ =	shalt  }
0x4f: {  	_ =	shalt  }
0x50: {  	_ =	shalt  }
0x51: {  	_ =	shalt  }
0x52: {  	_ =	shalt  }
0x53: {  	_ =	shalt  }
0x54: {  	_ =	shalt  }
0x55: {  	_ =	shalt  }
0x56: {  	_ =	shalt  }
0x57: {  	_ =	shalt  }
0x58: {  	_ =	shalt  }
0x59: {  	_ =	shalt  }
0x5a: {  	_ =	shalt  }
0x5b: {  	_ =	shalt  }
0x5c: {  	_ =	shalt  }
0x5d: {  	_ =	shalt  }
0x5e: {  	_ =	shalt  }
0x5f: {  	_ =	shalt  }
0x60: {  	_ =	shalt  }
0x61: {  	_ =	shalt  }
0x62: {  	_ =	shalt  }
0x63: {  	_ =	shalt  }
0x64: {  	_ =	shalt  }
0x65: {  	_ =	shalt  }
0x66: {  	_ =	shalt  }
0x67: {  	_ =	shalt  }
0x68: {  	_ =	shalt  }
0x69: {  	_ =	shalt  }
0x6a: {  	_ =	shalt  }
0x6b: {  	_ =	shalt  }
0x6c: {  	_ =	shalt  }
0x6d: {  	_ =	shalt  }
0x6e: {  	_ =	shalt  }
0x6f: {  	_ =	shalt  }
0x70: {  	_ =	shalt  }
0x71: {  	_ =	shalt  }
0x72: {  	_ =	shalt  }
0x73: {  	_ =	shalt  }
0x74: {  	_ =	shalt  }
0x75: {  	_ =	shalt  }
0x76: {  	_ =	shalt  }
0x77: {  	_ =	shalt  }
0x78: {  	_ =	shalt  }
0x79: {  	_ =	shalt  }
0x7a: {  	_ =	shalt  }
0x7b: {  	_ =	shalt  }
0x7c: {  	_ =	shalt  }
0x7d: {  	_ =	shalt  }
0x7e: {  	_ =	shalt  }
0x7f: {  	_ =	shalt  }
0x80: {  	_ =	shalt  }
0x81: {  	_ =	shalt  }
0x82: {  	_ =	shalt  }
0x83: {  	_ =	shalt  }
0x84: {  	_ =	shalt  }
0x85: {  	_ =	shalt  }
0x86: {  	_ =	shalt  }
0x87: {  	_ =	shalt  }
.Lfunc_end0:
.L_simem_size_0:
called_computation.1_lowered:
.L_overlay_start_0:
0x88: {  	s2 =	sld [smem:$0x3FD9]  }
0x89: {  	s3 =	sld [smem:$0x3FFE];
	_ =	sdelay $0x1  }
0x8a: {  	s1 =	srdreg.scid  }
0x8b: {  	s0 =	sand.u32 $0x1, s1  }
0x8c: {  	s16 =	sshll.u32 s0, $0xA;
	s2 =	sadd.s32 s3, s2  }
0x8d: {  	s2 =	sadd.s32 s2, s16  }
0x8e: {  	[smem:$0x3FC5] =	sst s2  }
0x8f: {  	_ = 	snop  }
0x90: {  	(tm) =	ssettm $0x1  }
0x91: {  	s17 =	sld [smem:$0x3FFB];
	_ =	sdelay $0x3  }
0x92: {  	_ =	strace s17  }
0x93: {  	s2 =	sld [smem:$0x3FFC];
	_ =	sdelay $0x3  }
0x94: {  	_ =	strace s2  }
0x95: {  	s2 =	sld [smem:$0x3FFD];
	_ =	sdelay $0x3  }
0x96: {  	_ =	strace s2  }
0x97: {  	_ =	strace $0x8FFFFFFF  }
0x98: {  	s18 =	sld [smem:$0x3FDB];
	_ =	sdelay $0x1  }
0x99: {  	s19 =	simm.s32 $_scs_section_size  }
0x9a: {  	s4 =	simm.s32 $_size__tile_overlayer_lowered;
	s5 =	simm.s32 $_tile_overlayer_lowered  }
0x9b: {  	s22 =	simm.s32 $0x1BFF;
	s21 =	sshll.u32 s5, $0x1;
	s2 =	sadd.s32 s19, s18  }
0x9c: {  	s6 =	simm.s32 $0x0;
	s20 =	sshll.u32 s4, $0x1;
	s4 =	sadd.s32 s21, s2  }
0x9d: {  	[timem:s6], [sflag:s22] =	dma.local [hbm:s4], s20  }
0x9e: {  	_ =	swait.ge [sflag:s22], s20  }
0x9f: {  	s3 =	ssub.s32 $0x0, s20;
	[sflag:s22] =	ssyncset.done $0x0  }
0xa0: {  	[sflag:s22] =	ssyncadd.s32 s3;
	_ =	sdelay $0x1  }
0xa1: {  	s23 =	simm.s32 $0x1B8B  }
0xa2: {  	_ =	swait.ge [sflag:s23], $0x1  }
0xa3: {  	[sflag:s23] =	ssyncset.done $0x0  }
0xa4: {  	s25 =	simm.s32 $0x1B8E;
	s24 =	sld [smem:$0x3FFE];
	[sflag:s23] =	ssyncadd.s32 $0xFFFFFFFF  }
0xa5: {  	s26 =	simm.s32 $execute0_lowered;
	[smem:$0x3FD2] =	sst s25  }
0xa6: {  	s4 =	sshll.u32 s26, $0x1;
	_ =	strace $0x80000046;
	[dreg:$0x1] =	wrdreg $0xFFFFFFFF  }
0xa7: {  	s28 =	simm.s32 $_size_execute0_lowered;
	s2 =	sadd.s32 s2, s4;
	[dreg:$0x0] =	wrdreg $0x0  }
0xa8: {  	s4 =	sshll.u32 s28, $0x1;
	[dreg:$0x2] =	wrdreg s2  }
0xa9: {  	[dreg:$0x3] =	wrdreg s4  }
0xaa: {  	[dreg:$0x4] =	wrdreg $0xC0  }
0xab: {  	_ =	task [dreg:s6], $0x5FFFF  }
0xac: {  	[dreg:$0x1] =	wrdreg $0xFFFFFFFF  }
0xad: {  	[dreg:$0x0] =	wrdreg $0x60  }
0xae: {  	[dreg:$0x2] =	wrdreg s24  }
0xaf: {  	[dreg:$0x3] =	wrdreg $0x9  }
0xb0: {  	_ =	task.clear_ibuf [dreg:s6], $0x4FFFF;
	_ =	strace $0x90000046  }
0xb1: {  	s29 =	simm.s32 $0x9;
	_ =	strace $0x8000004A  }
0xb2: {  	_ =	swait.ge [sflag:s29], $0x1  }
0xb3: {  	[sflag:s29] =	ssyncadd.s32 $0xFFFFFFFF  }
0xb4: {  	_ =	strace $0x9000004A  }
0xb5: {  	_ =	sfence  }
0xb6: {  	s30 =	sld [smem:$0x0];
	_ =	sdelay $0x2  }
0xb7: {  	s31 =	sshll.u32 s1, $0xD;
	s1 =	sshrl.u32 s1, $0x2  }
0xb8: {  	s3 =	sand.u32 $0x4000, s31;
	s1 =	sadd.s32 s1, s30  }
0xb9: {  	s0 =	sor.u32 s3, s0;
	s1 =	sshll.u32 s1, $0x11  }
0xba: {  	s0 =	sor.u32 s1, s0  }
0xbb: {  	s0 =	sadd.s32 $0x8F2B, s0  }
0xbc: {  	[sflag:s0] =	ssyncadd.remote.s32 $0x1  }
0xbd: {  	_ =	sfence.sel $0xFFFF  }
0xbe: {  	[dreg:$0x0] =	wrdreg $0xFFFFFFFF;
	(pc) =	sbr.abs _section_cstart, $3  }
0xbf: {  	[dreg:$0x1] =	wrdreg $0xFFFFFFFF  }
0xc0: {  	_ =	task.clear_ibuf [dreg:s6], $0x2FFFF;
	_ =	strace $0x9FFFFFFF  }
0xc1: {  	(tm) =	ssettm $0x7FFFFFFF  }
tec
execute0_lowered:
.L_overlay_start_1:
0x0: {  	(tag) =	ssettag $0x1  }
0x1: {  	s0 =	rddreg [dreg:$0x0]  }
0x2: {  	s1 =	simm.s32 $0x0;
	s4 =	srdreg.scid;
	s6 =	stileid.u32  }
0x3: {  	s28 =	simm.s32 $0xB;
	s14 =	simm.s32 $0x8;
	[smem:$0x7FF] =	sst s1  }
0x4: {  	s3 =	sadd.s32 $0x19200, s0;
	s2 =	sadd.s32 $0x11200, s0;
	s7 =	sadd.s32 $0x9200, s0  }
0x5: {  	s8 =	sadd.s32 $0x1200, s0;
	s5 =	sand.u32 $0x1, s4;
	s6 =	sshll.u32 s6, $0x1  }
0x6: {  	s4 =	sadd.s32 $0x27A800, s0;
	_ =	strace $0x80000047;
	s9 =	ssub.s32 $0x2, s5  }
0x7: {  	s10 =	sor.u32 s5, s6;
	s5 =	sadd.s32 $0x67A800, s0;
	s15 =	sshrl.u32 s9, $0x1  }
0x8: {  	s11 =	sshll.u32 s10, $0xA;
	s6 =	sshll.u32 s10, $0xD;
	s18 =	sshll.u32 s10, $0x7  }
0x9: {  	s24 =	sshll.u32 s10, $0x11;
	s0 =	ssub.s32 s9, s15;
	s16 =	sadd.s32 s2, s11  }
0xa: {  	s17 =	sadd.s32 s7, s11;
	s12 =	sor.u32 $0x100, s11;
	[dreg:$0x2] =	wrdreg s16  }
0xb: {  	s13 =	sadd.s32 s8, s11;
	s9 =	sadd.s32 $0x15F90, s18;
	[dreg:$0x3] =	wrdreg s17  }
0xc: {  	s21 =	sor.u32 $0x200, s11;
	s30 =	sadd.s32 $0x1FFFF00, s6;
	[dreg:$0x4] =	wrdreg s13  }
0xd: {  	s11 =	sor.u32 $0x300, s11;
	s31 =	sadd.s32 $0x1FFFF80, s6;
	[dreg:$0x10] =	wrdreg s30  }
0xe: {  	s26 =	sor.u32 $0x800, s24;
	s19 =	sadd.s32 s2, s12;
	[dreg:$0x11] =	wrdreg s31  }
0xf: {  	s29 =	sor.u32 $0x1F000, s24;
	s20 =	sadd.s32 s7, s12;
	[dreg:$0x5] =	wrdreg s19  }
0x10: {  	s15 =	simm.s32 $0x3;
	s12 =	sadd.s32 s8, s12;
	[dreg:$0x6] =	wrdreg s20  }
0x11: {  	s18 =	simm.s32 $0x4;
	s22 =	sadd.s32 s2, s21;
	[dreg:$0x7] =	wrdreg s12  }
0x12: {  	s23 =	sadd.s32 s7, s21;
	s2 =	sadd.s32 s2, s11;
	[dreg:$0x8] =	wrdreg s22  }
0x13: {  	s7 =	sadd.s32 s7, s11;
	s25 =	sadd.s32 s8, s11;
	[dreg:$0x9] =	wrdreg s23  }
0x14: {  	s0 =	smax.u32 s0, $0x1;
	s13 =	simm.s32 $0x9;
	[dreg:$0xb] =	wrdreg s2  }
0x15: {  	s16 =	simm.s32 $0x6;
	s17 =	simm.s32 $0xA;
	[dreg:$0xc] =	wrdreg s7  }
0x16: {  	v0 =	vmov s9;
	s9 =	simm.s32 $0x0;
	s12 =	sadd.s32 s8, s21;
	[dreg:$0xd] =	wrdreg s25  }
0x17: {  	s19 =	sadd.s32 s4, s24;
	s20 =	sadd.s32 s5, s24;
	s21 =	sadd.s32 s4, s26  }
0x18: {  	s7 =	sadd.s32 s5, s26;
	s2 =	sor.u32 $0x1F800, s24;
	[dreg:$0xf] =	wrdreg s0  }
0x19: {  	s23 =	sadd.s32 s4, s29;
	s24 =	sadd.s32 s5, s29;
	[dreg:$0xa] =	wrdreg s12  }
0x1a: {  	s0 =	simm.s32 $0x80;
	[dreg:$0xe] =	wrdreg s7;
	s25 =	sadd.s32 s4, s2  }
0x1b: {  	v1 =	vlaneseq.u32;
	s26 =	sadd.s32 s5, s2;
	s2 =	simm.s32 $0x7;
	s7 =	simm.s32 $0xC  }
.LBB2_1:
0x1c: {  	[dreg:$0x12] =	wrdreg s9  }
0x1d: {  	_ =	strace $0x80000048  }
0x1e: {  	s11 =	simm.s32 $0xD;
	s8 =	rddreg [dreg:$0x2]  }
0x1f: {  	[tilespmem:s1], [sflag:$0xD] =	stream.linear.gather [hbm4b:s8+s1], $0x800, $0x200038;
	[tilespmem:$0x1D800] =	vst v63  }
0x20: {  	_ =	swait.ge [sflag:s11], $0x800  }
0x21: {  	[sflag:s11] =	ssyncset.done $0x0  }
0x22: {  	s22 =	simm.s32 $0x800;
	s10 =	rddreg [dreg:$0x3];
	[sflag:s11] =	ssyncadd.s32 $0xFFFFF800  }
0x23: {  	[tilespmem:s22], [sflag:$0xD] =	stream.linear.gather [hbm4b:s10+s1], $0x800, $0x200038;
	[tilespmem:$0x1D800] =	vst v63  }
0x24: {  	_ =	swait.ge [sflag:s11], $0x800  }
0x25: {  	[sflag:s11] =	ssyncset.done $0x0  }
0x26: {  	s12 =	simm.s32 $0x1000;
	s10 =	rddreg [dreg:$0x4];
	[sflag:s11] =	ssyncadd.s32 $0xFFFFF800  }
0x27: {  	[tilespmem:s12], [sflag:$0xD] =	stream.linear.gather [hbm4b:s10+s1], $0x800, $0x200038;
	[tilespmem:$0x1D800] =	vst v63  }
0x28: {  	_ =	swait.ge [sflag:s11], $0x800  }
0x29: {  	[sflag:s11] =	ssyncset.done $0x0  }
0x2a: {  	[sflag:s11] =	ssyncadd.s32 $0xFFFFF800  }
0x2b: {  	v2 =	vld [tilespmem:s22+$0x0]  }
0x2c: {  	v3 =	vld [tilespmem:s12+$0x0]  }
0x2d: {  	v4 =	vld [tilespmem:s1+$0x0];
	_ =	sdelay $0x2  }
0x2e: {  	v5 =	vor.u32 s1, v1;
	v2 =	vmul.u32 $0x190, v2  }
0x2f: {  	v5 =	vand.u32 $0x7F, v5  }
0x30: {  	v5 =	vadd.s32 v0, v5;
	vm0 =	veq.s32 v3, $0x0;
	v2 =	vadd.s32 v4, v2  }
0x31: {  	s22 =	simm.s32 $0x1800;
	v2 =	vsel vm0, v5, v2  }
0x32: {  	s31 =	simm.s32 $0x20;
	s29 =	simm.s32 $0x1010;
	[tilespmem:s22+$0x0] =	vst v2;
	s22 =	simm.s32 $0x810  }
0x33: {  	s30 =	simm.s32 $0x0;
	s8 =	simm.s32 $0x1800;
	s10 =	simm.s32 $0x10;
	v2 =	vld [tilespmem:s22+$0x0]  }
.LBB2_2:
0x34: {  	p0 =	sne.s32 s31, $0x7F0;
	v3 =	vld [tilespmem:s29+$0x0];
	s30 =	sadd.s32 $0x10, s30  }
0x35: {  	v4 =	vld [tilespmem:s30+$0x0];
	_ =	sdelay $0x2  }
0x36: {  	v5 =	vor.u32 s10, v1;
	s10 =	smov.u32 s31;
	v2 =	vmul.u32 $0x190, v2  }
.Ltmp0:
0x37: {  	v5 =	vand.u32 $0x7F, v5;
	(pc) =	sbr.rel @p0 .LBB2_2-.Ltmp0, $4  }
0x38: {  	v5 =	vadd.s32 v0, v5;
	vm0 =	veq.s32 v3, $0x0;
	v2 =	vadd.s32 v4, v2  }
0x39: {  	s8 =	sadd.s32 $0x10, s8;
	v2 =	vsel vm0, v5, v2  }
0x3a: {  	s22 =	sadd.s32 $0x10, s22;
	[tilespmem:s8+$0x0] =	vst v2  }
0x3b: {  	s31 =	sadd.s32 $0x10, s31;
	s29 =	sadd.s32 $0x10, s29;
	v2 =	vld [tilespmem:s22+$0x0]  }
0x3c: {  	v3 =	vld [tilespmem:s29+$0x0];
	s9 =	sadd.s32 $0x10, s30  }
0x3d: {  	v4 =	vld [tilespmem:s9+$0x0];
	_ =	sdelay $0x2  }
0x3e: {  	v5 =	vor.u32 s10, v1;
	v2 =	vmul.u32 $0x190, v2  }
0x3f: {  	v5 =	vand.u32 $0x7F, v5  }
0x40: {  	v5 =	vadd.s32 v0, v5;
	vm0 =	veq.s32 v3, $0x0;
	v2 =	vadd.s32 v4, v2  }
0x41: {  	s8 =	sadd.s32 $0x10, s8;
	v2 =	vsel vm0, v5, v2  }
0x42: {  	s10 =	rddreg [dreg:$0x5];
	s12 =	simm.s32 $0xD;
	[tilespmem:s8+$0x0] =	vst v2;
	s8 =	simm.s32 $0x0  }
0x43: {  	[tilespmem:s8], [sflag:$0xD] =	stream.linear.gather [hbm4b:s10+s8], $0x800, $0x200038;
	[tilespmem:$0x1D800] =	vst v63  }
0x44: {  	_ =	swait.ge [sflag:s12], $0x800  }
0x45: {  	[sflag:s12] =	ssyncset.done $0x0  }
0x46: {  	s9 =	simm.s32 $0x800;
	s11 =	rddreg [dreg:$0x6];
	[sflag:s12] =	ssyncadd.s32 $0xFFFFF800  }
0x47: {  	[tilespmem:s9], [sflag:$0xD] =	stream.linear.gather [hbm4b:s11+s8], $0x800, $0x200038;
	[tilespmem:$0x1D800] =	vst v63  }
0x48: {  	_ =	swait.ge [sflag:s12], $0x800  }
0x49: {  	[sflag:s12] =	ssyncset.done $0x0  }
0x4a: {  	s22 =	simm.s32 $0x1000;
	s11 =	rddreg [dreg:$0x7];
	[sflag:s12] =	ssyncadd.s32 $0xFFFFF800  }
0x4b: {  	[tilespmem:s22], [sflag:$0xD] =	stream.linear.gather [hbm4b:s11+s8], $0x800, $0x200038;
	[tilespmem:$0x1D800] =	vst v63  }
0x4c: {  	_ =	swait.ge [sflag:s12], $0x800  }
0x4d: {  	[sflag:s12] =	ssyncset.done $0x0  }
0x4e: {  	[sflag:s12] =	ssyncadd.s32 $0xFFFFF800  }
0x4f: {  	v2 =	vld [tilespmem:s9+$0x0]  }
0x50: {  	v3 =	vld [tilespmem:s22+$0x0]  }
0x51: {  	v62 =	vld [tilespmem:s8+$0x0];
	_ =	sdelay $0x2  }
0x52: {  	v63 =	vor.u32 s8, v1;
	v2 =	vmul.u32 $0x190, v2  }
0x53: {  	v5 =	vand.u32 $0x7F, v63  }
0x54: {  	v5 =	vadd.s32 v0, v5;
	vm15 =	veq.s32 v3, $0x0;
	v2 =	vadd.s32 v62, v2  }
0x55: {  	s10 =	simm.s32 $0x2000;
	v2 =	vsel vm15, v5, v2  }
0x56: {  	s31 =	simm.s32 $0x810;
	[tilespmem:s10+$0x0] =	vst v2  }
0x57: {  	s30 =	simm.s32 $0x20;
	s29 =	simm.s32 $0x1010;
	s22 =	simm.s32 $0x10;
	v2 =	vld [tilespmem:s31+$0x0]  }
.LBB2_4:
0x58: {  	p0 =	sne.s32 s30, $0x7F0;
	v3 =	vld [tilespmem:s29+$0x0];
	s8 =	sadd.s32 $0x10, s8  }
0x59: {  	v4 =	vld [tilespmem:s8+$0x0];
	_ =	sdelay $0x2  }
0x5a: {  	v5 =	vor.u32 s22, v1;
	s22 =	smov.u32 s30;
	v2 =	vmul.u32 $0x190, v2  }
.Ltmp1:
0x5b: {  	v5 =	vand.u32 $0x7F, v5;
	(pc) =	sbr.rel @p0 .LBB2_4-.Ltmp1, $4  }
0x5c: {  	v5 =	vadd.s32 v0, v5;
	vm0 =	veq.s32 v3, $0x0;
	v2 =	vadd.s32 v4, v2  }
0x5d: {  	s10 =	sadd.s32 $0x10, s10;
	v2 =	vsel vm0, v5, v2  }
0x5e: {  	s31 =	sadd.s32 $0x10, s31;
	[tilespmem:s10+$0x0] =	vst v2  }
0x5f: {  	s30 =	sadd.s32 $0x10, s30;
	s29 =	sadd.s32 $0x10, s29;
	v2 =	vld [tilespmem:s31+$0x0]  }
0x60: {  	v3 =	vld [tilespmem:s29+$0x0];
	s8 =	sadd.s32 $0x10, s8  }
0x61: {  	v4 =	vld [tilespmem:s8+$0x0];
	_ =	sdelay $0x2  }
0x62: {  	v5 =	vor.u32 s22, v1;
	v2 =	vmul.u32 $0x190, v2  }
0x63: {  	v5 =	vand.u32 $0x7F, v5  }
0x64: {  	v5 =	vadd.s32 v0, v5;
	vm0 =	veq.s32 v3, $0x0;
	v2 =	vadd.s32 v4, v2  }
0x65: {  	s10 =	sadd.s32 $0x10, s10;
	v2 =	vsel vm0, v5, v2  }
0x66: {  	s9 =	rddreg [dreg:$0x8];
	s12 =	simm.s32 $0xD;
	s8 =	simm.s32 $0x0;
	[tilespmem:s10+$0x0] =	vst v2  }
0x67: {  	[tilespmem:s8], [sflag:$0xD] =	stream.linear.gather [hbm4b:s9+s8], $0x800, $0x200038;
	[tilespmem:$0x1D800] =	vst v63  }
0x68: {  	_ =	swait.ge [sflag:s12], $0x800  }
0x69: {  	[sflag:s12] =	ssyncset.done $0x0  }
0x6a: {  	s9 =	simm.s32 $0x800;
	s11 =	rddreg [dreg:$0x9];
	[sflag:s12] =	ssyncadd.s32 $0xFFFFF800  }
0x6b: {  	[tilespmem:s9], [sflag:$0xD] =	stream.linear.gather [hbm4b:s11+s8], $0x800, $0x200038;
	[tilespmem:$0x1D800] =	vst v63  }
0x6c: {  	_ =	swait.ge [sflag:s12], $0x800  }
0x6d: {  	[sflag:s12] =	ssyncset.done $0x0  }
0x6e: {  	s22 =	simm.s32 $0x1000;
	s11 =	rddreg [dreg:$0xa];
	[sflag:s12] =	ssyncadd.s32 $0xFFFFF800  }
0x6f: {  	[tilespmem:s22], [sflag:$0xD] =	stream.linear.gather [hbm4b:s11+s8], $0x800, $0x200038;
	[tilespmem:$0x1D800] =	vst v63  }
0x70: {  	_ =	swait.ge [sflag:s12], $0x800  }
0x71: {  	[sflag:s12] =	ssyncset.done $0x0  }
0x72: {  	[sflag:s12] =	ssyncadd.s32 $0xFFFFF800  }
0x73: {  	v2 =	vld [tilespmem:s9+$0x0]  }
0x74: {  	v3 =	vld [tilespmem:s22+$0x0]  }
0x75: {  	v62 =	vld [tilespmem:s8+$0x0];
	_ =	sdelay $0x2  }
0x76: {  	v63 =	vor.u32 s8, v1;
	v2 =	vmul.u32 $0x190, v2  }
0x77: {  	v5 =	vand.u32 $0x7F, v63  }
0x78: {  	v5 =	vadd.s32 v0, v5;
	vm15 =	veq.s32 v3, $0x0;
	v2 =	vadd.s32 v62, v2  }
0x79: {  	s10 =	simm.s32 $0x2800;
	v2 =	vsel vm15, v5, v2  }
0x7a: {  	s31 =	simm.s32 $0x810;
	[tilespmem:s10+$0x0] =	vst v2  }
0x7b: {  	s30 =	simm.s32 $0x20;
	s29 =	simm.s32 $0x1010;
	s22 =	simm.s32 $0x10;
	v2 =	vld [tilespmem:s31+$0x0]  }
.LBB2_6:
0x7c: {  	p0 =	sne.s32 s30, $0x7F0;
	v3 =	vld [tilespmem:s29+$0x0];
	s8 =	sadd.s32 $0x10, s8  }
0x7d: {  	v4 =	vld [tilespmem:s8+$0x0];
	_ =	sdelay $0x2  }
0x7e: {  	v5 =	vor.u32 s22, v1;
	s22 =	smov.u32 s30;
	v2 =	vmul.u32 $0x190, v2  }
.Ltmp2:
0x7f: {  	v5 =	vand.u32 $0x7F, v5;
	(pc) =	sbr.rel @p0 .LBB2_6-.Ltmp2, $4  }
0x80: {  	v5 =	vadd.s32 v0, v5;
	vm0 =	veq.s32 v3, $0x0;
	v2 =	vadd.s32 v4, v2  }
0x81: {  	s10 =	sadd.s32 $0x10, s10;
	v2 =	vsel vm0, v5, v2  }
0x82: {  	s31 =	sadd.s32 $0x10, s31;
	[tilespmem:s10+$0x0] =	vst v2  }
0x83: {  	s30 =	sadd.s32 $0x10, s30;
	s29 =	sadd.s32 $0x10, s29;
	v2 =	vld [tilespmem:s31+$0x0]  }
0x84: {  	v3 =	vld [tilespmem:s29+$0x0];
	s8 =	sadd.s32 $0x10, s8  }
0x85: {  	v4 =	vld [tilespmem:s8+$0x0];
	_ =	sdelay $0x2  }
0x86: {  	v5 =	vor.u32 s22, v1;
	v2 =	vmul.u32 $0x190, v2  }
0x87: {  	v5 =	vand.u32 $0x7F, v5  }
0x88: {  	v5 =	vadd.s32 v0, v5;
	vm0 =	veq.s32 v3, $0x0;
	v2 =	vadd.s32 v4, v2  }
0x89: {  	s10 =	sadd.s32 $0x10, s10;
	v2 =	vsel vm0, v5, v2  }
0x8a: {  	s9 =	rddreg [dreg:$0xb];
	s12 =	simm.s32 $0xD;
	s8 =	simm.s32 $0x0;
	[tilespmem:s10+$0x0] =	vst v2  }
0x8b: {  	[tilespmem:s8], [sflag:$0xD] =	stream.linear.gather [hbm4b:s9+s8], $0x800, $0x200038;
	[tilespmem:$0x1D800] =	vst v63  }
0x8c: {  	_ =	swait.ge [sflag:s12], $0x800  }
0x8d: {  	[sflag:s12] =	ssyncset.done $0x0  }
0x8e: {  	s9 =	simm.s32 $0x800;
	s11 =	rddreg [dreg:$0xc];
	[sflag:s12] =	ssyncadd.s32 $0xFFFFF800  }
0x8f: {  	[tilespmem:s9], [sflag:$0xD] =	stream.linear.gather [hbm4b:s11+s8], $0x800, $0x200038;
	[tilespmem:$0x1D800] =	vst v63  }
0x90: {  	_ =	swait.ge [sflag:s12], $0x800  }
0x91: {  	[sflag:s12] =	ssyncset.done $0x0  }
0x92: {  	s22 =	simm.s32 $0x1000;
	s11 =	rddreg [dreg:$0xd];
	[sflag:s12] =	ssyncadd.s32 $0xFFFFF800  }
0x93: {  	[tilespmem:s22], [sflag:$0xD] =	stream.linear.gather [hbm4b:s11+s8], $0x800, $0x200038;
	[tilespmem:$0x1D800] =	vst v63  }
0x94: {  	_ =	swait.ge [sflag:s12], $0x800  }
0x95: {  	[sflag:s12] =	ssyncset.done $0x0  }
0x96: {  	[sflag:s12] =	ssyncadd.s32 $0xFFFFF800  }
0x97: {  	v2 =	vld [tilespmem:s9+$0x0]  }
0x98: {  	v3 =	vld [tilespmem:s22+$0x0]  }
0x99: {  	v62 =	vld [tilespmem:s8+$0x0];
	_ =	sdelay $0x2  }
0x9a: {  	v63 =	vor.u32 s8, v1;
	v2 =	vmul.u32 $0x190, v2  }
0x9b: {  	v5 =	vand.u32 $0x7F, v63  }
0x9c: {  	v5 =	vadd.s32 v0, v5;
	vm15 =	veq.s32 v3, $0x0;
	v2 =	vadd.s32 v62, v2  }
0x9d: {  	s10 =	simm.s32 $0x3000;
	v2 =	vsel vm15, v5, v2  }
0x9e: {  	s31 =	simm.s32 $0x810;
	[tilespmem:s10+$0x0] =	vst v2  }
0x9f: {  	s30 =	simm.s32 $0x20;
	s29 =	simm.s32 $0x1010;
	s22 =	simm.s32 $0x10;
	v2 =	vld [tilespmem:s31+$0x0]  }
.LBB2_8:
0xa0: {  	p0 =	sne.s32 s30, $0x7F0;
	v3 =	vld [tilespmem:s29+$0x0];
	s8 =	sadd.s32 $0x10, s8  }
0xa1: {  	v4 =	vld [tilespmem:s8+$0x0];
	_ =	sdelay $0x2  }
0xa2: {  	v5 =	vor.u32 s22, v1;
	s22 =	smov.u32 s30;
	v2 =	vmul.u32 $0x190, v2  }
.Ltmp3:
0xa3: {  	v5 =	vand.u32 $0x7F, v5;
	(pc) =	sbr.rel @p0 .LBB2_8-.Ltmp3, $4  }
0xa4: {  	v5 =	vadd.s32 v0, v5;
	vm0 =	veq.s32 v3, $0x0;
	v2 =	vadd.s32 v4, v2  }
0xa5: {  	s10 =	sadd.s32 $0x10, s10;
	v2 =	vsel vm0, v5, v2  }
0xa6: {  	s31 =	sadd.s32 $0x10, s31;
	[tilespmem:s10+$0x0] =	vst v2  }
0xa7: {  	s30 =	sadd.s32 $0x10, s30;
	s29 =	sadd.s32 $0x10, s29;
	v2 =	vld [tilespmem:s31+$0x0]  }
0xa8: {  	v3 =	vld [tilespmem:s29+$0x0];
	s8 =	sadd.s32 $0x10, s8  }
0xa9: {  	v4 =	vld [tilespmem:s8+$0x0];
	_ =	sdelay $0x2  }
0xaa: {  	v5 =	vor.u32 s22, v1;
	v2 =	vmul.u32 $0x190, v2  }
0xab: {  	v5 =	vand.u32 $0x7F, v5  }
0xac: {  	v5 =	vadd.s32 v0, v5;
	vm0 =	veq.s32 v3, $0x0;
	v2 =	vadd.s32 v4, v2  }
0xad: {  	s11 =	sadd.s32 $0x10, s10;
	v2 =	vsel vm0, v5, v2  }
0xae: {  	[tilespmem:s11+$0x0] =	vst v2  }
0xaf: {  	_ =	strace $0x90000048  }
0xb0: {  	s9 =	simm.s32 $0x1800;
	s8 =	simm.s32 $0x3800;
	_ =	strace $0x80000049  }
0xb1: {  	[tilespmem:s8], [sflag:$0x1] =	stream.indirect.gather [hbm4b:s3+s0], $0xD0, s9, s0, $0x2000b8;
	[tilespmem:$0x1D800] =	vst v63  }
0xb2: {  	s12 =	simm.s32 $0x1880;
	s22 =	simm.s32 $0xA000  }
0xb3: {  	[tilespmem:s22], [sflag:$0x2] =	stream.indirect.gather [hbm4b:s3+s0], $0xD0, s12, s0, $0x2000b8;
	[tilespmem:$0x1D800] =	vst v63  }
0xb4: {  	s29 =	simm.s32 $0x1900;
	s30 =	simm.s32 $0x10800;
	s31 =	simm.s32 $0x1  }
0xb5: {  	[tilespmem:s30], [sflag:$0x3] =	stream.indirect.gather [hbm4b:s3+s0], $0xD0, s29, s0, $0x2000b8;
	[tilespmem:$0x1D800] =	vst v63  }
0xb6: {  	_ =	swait.ge [sflag:s31], $0x6800  }
0xb7: {  	s10 =	simm.s32 $0x10;
	[sflag:s31] =	ssyncset.done $0x0  }
0xb8: {  	s11 =	sadd.s32 $0x0, s19;
	s9 =	simm.s32 $0x38D0;
	[sflag:s31] =	ssyncadd.s32 $0xFFFF9800  }
.LBB2_10:
0xb9: {  	[hbm4b:s11+s1] =	stream.linear.scatter [tilespmem:s8], [sflag:$0x5], $0x80, $0x200038;
	[tilespmem:$0x1D800] =	vst v63  }
0xba: {  	s11 =	smov.u32 s10;
	s8 =	smov.u32 s9;
	p0 =	sne.s32 s10, $0x7F0  }
.Ltmp4:
0xbb: {  	s10 =	sadd.s32 $0x10, s10;
	(pc) =	sbr.rel @p0 .LBB2_10-.Ltmp4, $2  }
0xbc: {  	_ =	sdelay $0x2  }
0xbd: {  	s9 =	sadd.s32 $0xD0, s9;
	s11 =	sadd.s32 s11, s19  }
0xbe: {  	[hbm4b:s11+s1] =	stream.linear.scatter [tilespmem:s8], [sflag:$0x5], $0x80, $0x200038;
	[tilespmem:$0x1D800] =	vst v63  }
0xbf: {  	s8 =	simm.s32 $0x3850  }
0xc0: {  	s10 =	simm.s32 $0x10;
	s11 =	sadd.s32 $0x0, s20;
	s9 =	simm.s32 $0x3920  }
.LBB2_12:
0xc1: {  	[hbm4b:s11+s1] =	stream.linear.scatter [tilespmem:s8], [sflag:$0x9], $0x80, $0x200038;
	[tilespmem:$0x1D800] =	vst v63  }
0xc2: {  	s11 =	smov.u32 s10;
	s8 =	smov.u32 s9;
	p0 =	sne.s32 s10, $0x7F0  }
.Ltmp5:
0xc3: {  	s10 =	sadd.s32 $0x10, s10;
	(pc) =	sbr.rel @p0 .LBB2_12-.Ltmp5, $2  }
0xc4: {  	_ =	sdelay $0x2  }
0xc5: {  	s9 =	sadd.s32 $0xD0, s9;
	s11 =	sadd.s32 s11, s20  }
0xc6: {  	[hbm4b:s11+s1] =	stream.linear.scatter [tilespmem:s8], [sflag:$0x9], $0x80, $0x200038;
	[tilespmem:$0x1D800] =	vst v63  }
0xc7: {  	s30 =	simm.s32 $0x1980;
	s9 =	simm.s32 $0x17000;
	s31 =	simm.s32 $0x2  }
0xc8: {  	[tilespmem:s9], [sflag:$0x4] =	stream.indirect.gather [hbm4b:s3+s0], $0xD0, s30, s0, $0x2000b8;
	[tilespmem:$0x1D800] =	vst v63  }
0xc9: {  	_ =	swait.ge [sflag:s31], $0x6800  }
0xca: {  	s8 =	simm.s32 $0xA000;
	s10 =	simm.s32 $0x10;
	[sflag:s31] =	ssyncset.done $0x0  }
0xcb: {  	s11 =	sadd.s32 $0x0, s21;
	s9 =	simm.s32 $0xA0D0;
	[sflag:s31] =	ssyncadd.s32 $0xFFFF9800  }
.LBB2_14:
0xcc: {  	[hbm4b:s11+s1] =	stream.linear.scatter [tilespmem:s8], [sflag:$0x6], $0x80, $0x200038;
	[tilespmem:$0x1D800] =	vst v63  }
0xcd: {  	s11 =	smov.u32 s10;
	s8 =	smov.u32 s9;
	p0 =	sne.s32 s10, $0x7F0  }
.Ltmp6:
0xce: {  	s10 =	sadd.s32 $0x10, s10;
	(pc) =	sbr.rel @p0 .LBB2_14-.Ltmp6, $2  }
0xcf: {  	_ =	sdelay $0x2  }
0xd0: {  	s9 =	sadd.s32 $0xD0, s9;
	s11 =	sadd.s32 s11, s21  }
0xd1: {  	[hbm4b:s11+s1] =	stream.linear.scatter [tilespmem:s8], [sflag:$0x6], $0x80, $0x200038;
	[tilespmem:$0x1D800] =	vst v63  }
0xd2: {  	s8 =	simm.s32 $0x0;
	s9 =	simm.s32 $0xA050;
	s11 =	rddreg [dreg:$0xe]  }
.LBB2_16:
0xd3: {  	p0 =	sne.s32 s8, $0x7F0  }
.Ltmp7:
0xd4: {  	_ = 	snop;
	(pc) =	sbr.rel @p0 .LBB2_16-.Ltmp7, $4  }
0xd5: {  	_ = 	snop  }
0xd6: {  	s10 =	sadd.s32 s8, s11  }
0xd7: {  	[hbm4b:s10+s1] =	stream.linear.scatter [tilespmem:s9], [sflag:$0xA], $0x80, $0x200038;
	[tilespmem:$0x1D800] =	vst v63  }
0xd8: {  	s8 =	sadd.s32 $0x10, s8;
	s9 =	sadd.s32 $0xD0, s9  }
0xd9: {  	s8 =	simm.s32 $0x1  }
.LBB2_18:
0xda: {  	s9 =	simm.s32 $0x5  }
0xdb: {  	_ =	swait.ge [sflag:s9], $0x4000  }
0xdc: {  	[sflag:s9] =	ssyncset.done $0x0  }
0xdd: {  	[sflag:s9] =	ssyncadd.s32 $0xFFFFC000  }
0xde: {  	s10 =	sshll.u32 s8, $0x9;
	_ =	swait.ge [sflag:s13], $0x4000  }
0xdf: {  	s11 =	simm.s32 $0x3800;
	[sflag:s13] =	ssyncset.done $0x0;
	s22 =	rddreg [dreg:$0x10]  }
0xe0: {  	s12 =	sadd.s32 $0x1800, s10;
	[sflag:s13] =	ssyncadd.s32 $0xFFFFC000;
	s9 =	sadd.s32 s10, s22  }
0xe1: {  	[tilespmem:s11], [sflag:$0x1] =	stream.indirect.gather [hbm4b:s3+s0], $0xD0, s12, s0, $0x2000b8;
	[tilespmem:$0x1D800] =	vst v63  }
0xe2: {  	s9 =	sshll.u32 s9, $0x4  }
0xe3: {  	s30 =	simm.s32 $0x10800;
	_ =	swait.ge [sflag:s15], $0x6800;
	s22 =	sand.u32 $0x1FFFF000, s9  }
0xe4: {  	s31 =	simm.s32 $0x10;
	[sflag:s15] =	ssyncset.done $0x0;
	s29 =	sadd.s32 s4, s22  }
0xe5: {  	s9 =	simm.s32 $0x108D0;
	[sflag:s15] =	ssyncadd.s32 $0xFFFF9800;
	s11 =	sadd.s32 $0x0, s29  }
.LBB2_19:
0xe6: {  	[hbm4b:s11+s1] =	stream.linear.scatter [tilespmem:s30], [sflag:$0x7], $0x80, $0x200038;
	[tilespmem:$0x1D800] =	vst v63  }
0xe7: {  	s11 =	smov.u32 s31;
	s30 =	smov.u32 s9;
	p0 =	sne.s32 s31, $0x7F0  }
.Ltmp8:
0xe8: {  	s31 =	sadd.s32 $0x10, s31;
	(pc) =	sbr.rel @p0 .LBB2_19-.Ltmp8, $2  }
0xe9: {  	_ =	sdelay $0x2  }
0xea: {  	s9 =	sadd.s32 $0xD0, s9;
	s11 =	sadd.s32 s11, s29  }
0xeb: {  	[hbm4b:s11+s1] =	stream.linear.scatter [tilespmem:s30], [sflag:$0x7], $0x80, $0x200038;
	[tilespmem:$0x1D800] =	vst v63  }
0xec: {  	s22 =	sadd.s32 s5, s22;
	s29 =	simm.s32 $0x10850  }
0xed: {  	s30 =	simm.s32 $0x10;
	s9 =	simm.s32 $0x10920;
	s11 =	sadd.s32 $0x0, s22  }
.LBB2_21:
0xee: {  	[hbm4b:s11+s1] =	stream.linear.scatter [tilespmem:s29], [sflag:$0xB], $0x80, $0x200038;
	[tilespmem:$0x1D800] =	vst v63  }
0xef: {  	s11 =	smov.u32 s30;
	s29 =	smov.u32 s9;
	p0 =	sne.s32 s30, $0x7F0  }
.Ltmp9:
0xf0: {  	s30 =	sadd.s32 $0x10, s30;
	(pc) =	sbr.rel @p0 .LBB2_21-.Ltmp9, $2  }
0xf1: {  	_ =	sdelay $0x2  }
0xf2: {  	s9 =	sadd.s32 $0xD0, s9;
	s11 =	sadd.s32 s11, s22  }
0xf3: {  	[hbm4b:s11+s1] =	stream.linear.scatter [tilespmem:s29], [sflag:$0xB], $0x80, $0x200038;
	[tilespmem:$0x1D800] =	vst v63  }
0xf4: {  	_ =	swait.ge [sflag:s16], $0x4000  }
0xf5: {  	[sflag:s16] =	ssyncset.done $0x0  }
0xf6: {  	[sflag:s16] =	ssyncadd.s32 $0xFFFFC000  }
0xf7: {  	_ =	swait.ge [sflag:s17], $0x4000  }
0xf8: {  	s9 =	sadd.s32 $0x1880, s10;
	[sflag:s17] =	ssyncset.done $0x0  }
0xf9: {  	s12 =	simm.s32 $0xA000;
	s22 =	rddreg [dreg:$0x11];
	[sflag:s17] =	ssyncadd.s32 $0xFFFFC000  }
0xfa: {  	[tilespmem:s12], [sflag:$0x2] =	stream.indirect.gather [hbm4b:s3+s0], $0xD0, s9, s0, $0x2000b8;
	[tilespmem:$0x1D800] =	vst v63  }
0xfb: {  	s9 =	sadd.s32 s10, s22  }
0xfc: {  	s31 =	sor.u32 $0x80, s10;
	s9 =	sshll.u32 s9, $0x4  }
0xfd: {  	s30 =	simm.s32 $0x17000;
	_ =	swait.ge [sflag:s18], $0x6800;
	s22 =	sand.u32 $0x1FFFF800, s9  }
0xfe: {  	s11 =	simm.s32 $0x170D0;
	[sflag:s18] =	ssyncset.done $0x0;
	s29 =	sadd.s32 s4, s22  }
0xff: {  	s9 =	simm.s32 $0x10;
	[sflag:s18] =	ssyncadd.s32 $0xFFFF9800;
	s12 =	sadd.s32 $0x0, s29  }
.LBB2_23:
0x100: {  	[hbm4b:s12+s1] =	stream.linear.scatter [tilespmem:s30], [sflag:$0x8], $0x80, $0x200038;
	[tilespmem:$0x1D800] =	vst v63  }
0x101: {  	s12 =	smov.u32 s9;
	s30 =	smov.u32 s11;
	p0 =	sne.s32 s9, $0x7F0  }
.Ltmp10:
0x102: {  	s9 =	sadd.s32 $0x10, s9;
	(pc) =	sbr.rel @p0 .LBB2_23-.Ltmp10, $2  }
0x103: {  	_ =	sdelay $0x2  }
0x104: {  	s11 =	sadd.s32 $0xD0, s11;
	s12 =	sadd.s32 s12, s29  }
0x105: {  	[hbm4b:s12+s1] =	stream.linear.scatter [tilespmem:s30], [sflag:$0x8], $0x80, $0x200038;
	[tilespmem:$0x1D800] =	vst v63  }
0x106: {  	s22 =	sadd.s32 s5, s22;
	s29 =	simm.s32 $0x17050  }
0x107: {  	s9 =	simm.s32 $0x10;
	s11 =	simm.s32 $0x17120;
	s12 =	sadd.s32 $0x0, s22  }
.LBB2_25:
0x108: {  	[hbm4b:s12+s1] =	stream.linear.scatter [tilespmem:s29], [sflag:$0xC], $0x80, $0x200038;
	[tilespmem:$0x1D800] =	vst v63  }
0x109: {  	s12 =	smov.u32 s9;
	s29 =	smov.u32 s11;
	p0 =	sne.s32 s9, $0x7F0  }
.Ltmp11:
0x10a: {  	s9 =	sadd.s32 $0x10, s9;
	(pc) =	sbr.rel @p0 .LBB2_25-.Ltmp11, $2  }
0x10b: {  	_ =	sdelay $0x2  }
0x10c: {  	s11 =	sadd.s32 $0xD0, s11;
	s12 =	sadd.s32 s12, s22  }
0x10d: {  	[hbm4b:s12+s1] =	stream.linear.scatter [tilespmem:s29], [sflag:$0xC], $0x80, $0x200038;
	[tilespmem:$0x1D800] =	vst v63  }
0x10e: {  	_ =	swait.ge [sflag:s2], $0x4000  }
0x10f: {  	[sflag:s2] =	ssyncset.done $0x0  }
0x110: {  	[sflag:s2] =	ssyncadd.s32 $0xFFFFC000  }
0x111: {  	_ =	swait.ge [sflag:s28], $0x4000  }
0x112: {  	s22 =	sand.u32 $0x3FFFFE00, s10;
	[sflag:s28] =	ssyncset.done $0x0  }
0x113: {  	s11 =	simm.s32 $0x10800;
	s9 =	sadd.s32 $0x1900, s22;
	[sflag:s28] =	ssyncadd.s32 $0xFFFFC000  }
0x114: {  	[tilespmem:s11], [sflag:$0x3] =	stream.indirect.gather [hbm4b:s3+s0], $0xD0, s9, s0, $0x2000b8;
	[tilespmem:$0x1D800] =	vst v63  }
0x115: {  	s11 =	sadd.s32 s6, s10  }
0x116: {  	s12 =	simm.s32 $0x1;
	s9 =	sshll.u32 s11, $0x4  }
0x117: {  	s30 =	simm.s32 $0x3800;
	_ =	swait.ge [sflag:s12], $0x6800;
	s10 =	sand.u32 $0x1FFFE000, s9  }
0x118: {  	s11 =	simm.s32 $0x38D0;
	[sflag:s12] =	ssyncset.done $0x0;
	s29 =	sadd.s32 s4, s10  }
0x119: {  	s9 =	simm.s32 $0x10;
	[sflag:s12] =	ssyncadd.s32 $0xFFFF9800;
	s12 =	sadd.s32 $0x0, s29  }
.LBB2_27:
0x11a: {  	[hbm4b:s12+s1] =	stream.linear.scatter [tilespmem:s30], [sflag:$0x5], $0x80, $0x200038;
	[tilespmem:$0x1D800] =	vst v63  }
0x11b: {  	s12 =	smov.u32 s9;
	s30 =	smov.u32 s11;
	p0 =	sne.s32 s9, $0x7F0  }
.Ltmp12:
0x11c: {  	s9 =	sadd.s32 $0x10, s9;
	(pc) =	sbr.rel @p0 .LBB2_27-.Ltmp12, $2  }
0x11d: {  	_ =	sdelay $0x2  }
0x11e: {  	s11 =	sadd.s32 $0xD0, s11;
	s12 =	sadd.s32 s12, s29  }
0x11f: {  	[hbm4b:s12+s1] =	stream.linear.scatter [tilespmem:s30], [sflag:$0x5], $0x80, $0x200038;
	[tilespmem:$0x1D800] =	vst v63  }
0x120: {  	s10 =	sadd.s32 s5, s10;
	s29 =	simm.s32 $0x3850  }
0x121: {  	s9 =	simm.s32 $0x10;
	s11 =	simm.s32 $0x3920;
	s12 =	sadd.s32 $0x0, s10  }
.LBB2_29:
0x122: {  	[hbm4b:s12+s1] =	stream.linear.scatter [tilespmem:s29], [sflag:$0x9], $0x80, $0x200038;
	[tilespmem:$0x1D800] =	vst v63  }
0x123: {  	s12 =	smov.u32 s9;
	s29 =	smov.u32 s11;
	p0 =	sne.s32 s9, $0x7F0  }
.Ltmp13:
0x124: {  	s9 =	sadd.s32 $0x10, s9;
	(pc) =	sbr.rel @p0 .LBB2_29-.Ltmp13, $2  }
0x125: {  	_ =	sdelay $0x2  }
0x126: {  	s11 =	sadd.s32 $0xD0, s11;
	s12 =	sadd.s32 s12, s10  }
0x127: {  	[hbm4b:s12+s1] =	stream.linear.scatter [tilespmem:s29], [sflag:$0x9], $0x80, $0x200038;
	[tilespmem:$0x1D800] =	vst v63  }
0x128: {  	_ =	swait.ge [sflag:s14], $0x4000  }
0x129: {  	[sflag:s14] =	ssyncset.done $0x0  }
0x12a: {  	[sflag:s14] =	ssyncadd.s32 $0xFFFFC000  }
0x12b: {  	_ =	swait.ge [sflag:s7], $0x4000  }
0x12c: {  	s9 =	sadd.s32 $0x1980, s22;
	[sflag:s7] =	ssyncset.done $0x0  }
0x12d: {  	s10 =	simm.s32 $0x17000;
	s31 =	sadd.s32 s6, s31;
	[sflag:s7] =	ssyncadd.s32 $0xFFFFC000  }
0x12e: {  	[tilespmem:s10], [sflag:$0x4] =	stream.indirect.gather [hbm4b:s3+s0], $0xD0, s9, s0, $0x2000b8;
	[tilespmem:$0x1D800] =	vst v63  }
0x12f: {  	s11 =	simm.s32 $0x2;
	s9 =	sshll.u32 s31, $0x4  }
0x130: {  	s29 =	simm.s32 $0xA000;
	_ =	swait.ge [sflag:s11], $0x6800;
	s10 =	sand.u32 $0x1FFFE800, s9  }
0x131: {  	s9 =	simm.s32 $0x10;
	[sflag:s11] =	ssyncset.done $0x0;
	s22 =	sadd.s32 s4, s10  }
0x132: {  	[sflag:s11] =	ssyncadd.s32 $0xFFFF9800;
	s12 =	sadd.s32 $0x0, s22;
	s11 =	simm.s32 $0xA0D0  }
.LBB2_31:
0x133: {  	[hbm4b:s12+s1] =	stream.linear.scatter [tilespmem:s29], [sflag:$0x6], $0x80, $0x200038;
	[tilespmem:$0x1D800] =	vst v63  }
0x134: {  	s12 =	smov.u32 s9;
	s29 =	smov.u32 s11;
	p0 =	sne.s32 s9, $0x7F0  }
.Ltmp14:
0x135: {  	s9 =	sadd.s32 $0x10, s9;
	(pc) =	sbr.rel @p0 .LBB2_31-.Ltmp14, $2  }
0x136: {  	_ =	sdelay $0x2  }
0x137: {  	s11 =	sadd.s32 $0xD0, s11;
	s12 =	sadd.s32 s12, s22  }
0x138: {  	[hbm4b:s12+s1] =	stream.linear.scatter [tilespmem:s29], [sflag:$0x6], $0x80, $0x200038;
	[tilespmem:$0x1D800] =	vst v63  }
0x139: {  	s10 =	sadd.s32 s5, s10;
	s22 =	simm.s32 $0xA050  }
0x13a: {  	s9 =	simm.s32 $0x10;
	s11 =	simm.s32 $0xA120;
	s12 =	sadd.s32 $0x0, s10  }
.LBB2_33:
0x13b: {  	[hbm4b:s12+s1] =	stream.linear.scatter [tilespmem:s22], [sflag:$0xA], $0x80, $0x200038;
	[tilespmem:$0x1D800] =	vst v63  }
0x13c: {  	s12 =	smov.u32 s9;
	s22 =	smov.u32 s11;
	p0 =	sne.s32 s9, $0x7F0  }
.Ltmp15:
0x13d: {  	s9 =	sadd.s32 $0x10, s9;
	(pc) =	sbr.rel @p0 .LBB2_33-.Ltmp15, $2  }
0x13e: {  	_ =	sdelay $0x2  }
0x13f: {  	s11 =	sadd.s32 $0xD0, s11;
	s12 =	sadd.s32 s12, s10  }
0x140: {  	s8 =	sadd.s32 $0x1, s8  }
0x141: {  	p0 =	sne.s32 s8, $0x10  }
.Ltmp16:
0x142: {  	_ = 	snop;
	(pc) =	sbr.rel @p0 .LBB2_18-.Ltmp16, $2  }
0x143: {  	_ =	sdelay $0x2  }
0x144: {  	[hbm4b:s12+s1] =	stream.linear.scatter [tilespmem:s22], [sflag:$0xA], $0x80, $0x200038;
	[tilespmem:$0x1D800] =	vst v63  }
0x145: {  	_ =	swait.ge [sflag:s15], $0x6800  }
0x146: {  	s8 =	simm.s32 $0x10800;
	s9 =	simm.s32 $0x10;
	[sflag:s15] =	ssyncset.done $0x0  }
0x147: {  	s11 =	sadd.s32 $0x0, s23;
	s10 =	simm.s32 $0x108D0;
	[sflag:s15] =	ssyncadd.s32 $0xFFFF9800  }
.LBB2_36:
0x148: {  	[hbm4b:s11+s1] =	stream.linear.scatter [tilespmem:s8], [sflag:$0x7], $0x80, $0x200038;
	[tilespmem:$0x1D800] =	vst v63  }
0x149: {  	s11 =	smov.u32 s9;
	s8 =	smov.u32 s10;
	p0 =	sne.s32 s9, $0x7F0  }
.Ltmp17:
0x14a: {  	s9 =	sadd.s32 $0x10, s9;
	(pc) =	sbr.rel @p0 .LBB2_36-.Ltmp17, $2  }
0x14b: {  	_ =	sdelay $0x2  }
0x14c: {  	s10 =	sadd.s32 $0xD0, s10;
	s11 =	sadd.s32 s11, s23  }
0x14d: {  	[hbm4b:s11+s1] =	stream.linear.scatter [tilespmem:s8], [sflag:$0x7], $0x80, $0x200038;
	[tilespmem:$0x1D800] =	vst v63  }
0x14e: {  	s8 =	simm.s32 $0x10850  }
0x14f: {  	s9 =	simm.s32 $0x10;
	s11 =	sadd.s32 $0x0, s24;
	s10 =	simm.s32 $0x10920  }
.LBB2_38:
0x150: {  	[hbm4b:s11+s1] =	stream.linear.scatter [tilespmem:s8], [sflag:$0xB], $0x80, $0x200038;
	[tilespmem:$0x1D800] =	vst v63  }
0x151: {  	s11 =	smov.u32 s9;
	s8 =	smov.u32 s10;
	p0 =	sne.s32 s9, $0x7F0  }
.Ltmp18:
0x152: {  	s9 =	sadd.s32 $0x10, s9;
	(pc) =	sbr.rel @p0 .LBB2_38-.Ltmp18, $2  }
0x153: {  	_ =	sdelay $0x2  }
0x154: {  	s10 =	sadd.s32 $0xD0, s10;
	s11 =	sadd.s32 s11, s24  }
0x155: {  	[hbm4b:s11+s1] =	stream.linear.scatter [tilespmem:s8], [sflag:$0xB], $0x80, $0x200038;
	[tilespmem:$0x1D800] =	vst v63  }
0x156: {  	_ =	swait.ge [sflag:s18], $0x6800  }
0x157: {  	s8 =	simm.s32 $0x17000;
	s9 =	simm.s32 $0x10;
	[sflag:s18] =	ssyncset.done $0x0  }
0x158: {  	s11 =	sadd.s32 $0x0, s25;
	s10 =	simm.s32 $0x170D0;
	[sflag:s18] =	ssyncadd.s32 $0xFFFF9800  }
.LBB2_40:
0x159: {  	[hbm4b:s11+s1] =	stream.linear.scatter [tilespmem:s8], [sflag:$0x8], $0x80, $0x200038;
	[tilespmem:$0x1D800] =	vst v63  }
0x15a: {  	s11 =	smov.u32 s9;
	s8 =	smov.u32 s10;
	p0 =	sne.s32 s9, $0x7F0  }
.Ltmp19:
0x15b: {  	s9 =	sadd.s32 $0x10, s9;
	(pc) =	sbr.rel @p0 .LBB2_40-.Ltmp19, $2  }
0x15c: {  	_ =	sdelay $0x2  }
0x15d: {  	s10 =	sadd.s32 $0xD0, s10;
	s11 =	sadd.s32 s11, s25  }
0x15e: {  	[hbm4b:s11+s1] =	stream.linear.scatter [tilespmem:s8], [sflag:$0x8], $0x80, $0x200038;
	[tilespmem:$0x1D800] =	vst v63  }
0x15f: {  	s8 =	simm.s32 $0x17050  }
0x160: {  	s9 =	simm.s32 $0x10;
	s11 =	sadd.s32 $0x0, s26;
	s10 =	simm.s32 $0x17120  }
.LBB2_42:
0x161: {  	[hbm4b:s11+s1] =	stream.linear.scatter [tilespmem:s8], [sflag:$0xC], $0x80, $0x200038;
	[tilespmem:$0x1D800] =	vst v63  }
0x162: {  	s11 =	smov.u32 s9;
	s8 =	smov.u32 s10;
	p0 =	sne.s32 s9, $0x7F0  }
.Ltmp20:
0x163: {  	s9 =	sadd.s32 $0x10, s9;
	(pc) =	sbr.rel @p0 .LBB2_42-.Ltmp20, $2  }
0x164: {  	_ =	sdelay $0x2  }
0x165: {  	s10 =	sadd.s32 $0xD0, s10;
	s11 =	sadd.s32 s11, s26  }
0x166: {  	[hbm4b:s11+s1] =	stream.linear.scatter [tilespmem:s8], [sflag:$0xC], $0x80, $0x200038;
	[tilespmem:$0x1D800] =	vst v63  }
0x167: {  	s30 =	simm.s32 $0x5  }
0x168: {  	_ =	swait.ge [sflag:s30], $0x4000  }
0x169: {  	[sflag:s30] =	ssyncset.done $0x0  }
0x16a: {  	[sflag:s30] =	ssyncadd.s32 $0xFFFFC000  }
0x16b: {  	_ =	swait.ge [sflag:s13], $0x4000  }
0x16c: {  	[sflag:s13] =	ssyncset.done $0x0  }
0x16d: {  	[sflag:s13] =	ssyncadd.s32 $0xFFFFC000  }
0x16e: {  	_ =	swait.ge [sflag:s16], $0x4000  }
0x16f: {  	[sflag:s16] =	ssyncset.done $0x0  }
0x170: {  	[sflag:s16] =	ssyncadd.s32 $0xFFFFC000  }
0x171: {  	_ =	swait.ge [sflag:s17], $0x4000  }
0x172: {  	[sflag:s17] =	ssyncset.done $0x0  }
0x173: {  	[sflag:s17] =	ssyncadd.s32 $0xFFFFC000  }
0x174: {  	_ =	swait.ge [sflag:s2], $0x4000  }
0x175: {  	[sflag:s2] =	ssyncset.done $0x0  }
0x176: {  	[sflag:s2] =	ssyncadd.s32 $0xFFFFC000  }
0x177: {  	_ =	swait.ge [sflag:s28], $0x4000  }
0x178: {  	[sflag:s28] =	ssyncset.done $0x0  }
0x179: {  	[sflag:s28] =	ssyncadd.s32 $0xFFFFC000  }
0x17a: {  	_ =	swait.ge [sflag:s14], $0x4000  }
0x17b: {  	[sflag:s14] =	ssyncset.done $0x0  }
0x17c: {  	[sflag:s14] =	ssyncadd.s32 $0xFFFFC000  }
0x17d: {  	_ =	swait.ge [sflag:s7], $0x4000  }
0x17e: {  	s9 =	rddreg [dreg:$0x12]  }
0x17f: {  	s31 =	rddreg [dreg:$0xf];
	s9 =	sadd.s32 $0x1, s9  }
0x180: {  	p0 =	sne.s32 s9, s31  }
.Ltmp21:
0x181: {  	_ = 	snop;
	(pc) =	sbr.rel @p0 .LBB2_1-.Ltmp21, $4  }
0x182: {  	_ = 	snop  }
0x183: {  	[sflag:s7] =	ssyncset.done $0x0  }
0x184: {  	[sflag:s7] =	ssyncadd.s32 $0xFFFFC000  }
0x185: {  	_ =	strace $0x90000049  }
0x186: {  	_ =	sfence.sel $0x180000  }
0x187: {  	[bflag:$0x0] =	sbarrier.arrive $0xFFFF  }
0x188: {  	_ =	strace $0x90000047  }
0x189: {  	s0 =	stileid.u32;
	[bflag:$0x2] =	sbarrier.arrive $0xFFFF  }
0x18a: {  	p0 =	sne.s32 s0, $0x0;
	s0 =	rddreg [dreg:$0x1]  }
0x18b: {  	s0 =	sadd.s32 @!p0 $0x100000, s0  }
0x18c: {  	[sflag:s0] =	ssyncadd.tile.s32 @!p0 $0x1;
	_ =	shalt  }
.Lfunc_end2:
_tile_overlayer_lowered:
.L_overlay_start_2:
0x18d: {  	(tag) =	ssettag $0x2  }
0x18e: {  	s0 =	rddreg [dreg:$0x0];
	s2 =	stileid.u32  }
0x18f: {  	s1 =	rddreg [dreg:$0x1];
	p0 =	sne.s32 s2, $0x0  }
0x190: {  	s3 =	rddreg [dreg:$0x2];
	[bflag:$0x3] =	sbarrier.arrive $0xFFFF;
	s2 =	simm.s32 @!p0 $0x1C0D  }
0x191: {  	[timem:s3], [sflag:s2] =	dma.local @!p0 [hbm:s0], s1  }
0x192: {  	s0 =	simm.s32 @!p0 $0xD  }
0x193: {  	_ =	swait.ge @!p0 [sflag:s0], s1  }
0x194: {  	s1 =	ssub.s32 @!p0 $0x0, s1;
	[sflag:s0] =	ssyncset.done @!p0 $0x0  }
0x195: {  	[sflag:s0] =	ssyncadd.s32 @!p0 s1  }
0x196: {  	[bflag:$0x3] =	sbarrier.arrive $0xFFFF  }
0x197: {  	_ =	shalt  }

// kernel: sparse-core-data-format-call.cloned.1.call-start
scs
called_computation_lowered:
.L_overlay_start_0:
0x0: {  	s2 =	sld [smem:$0x3FD9]  }
0x1: {  	s3 =	sld [smem:$0x3FFE];
	_ =	sdelay $0x1  }
0x2: {  	s1 =	srdreg.scid  }
0x3: {  	s0 =	sand.u32 $0x1, s1  }
0x4: {  	s18 =	sshll.u32 s0, $0xA;
	s2 =	sadd.s32 s3, s2  }
0x5: {  	s2 =	sadd.s32 s2, s18  }
0x6: {  	[smem:$0x3FC5] =	sst s2  }
0x7: {  	_ = 	snop  }
0x8: {  	s2 =	sld [smem:$0x3FD0];
	(tm) =	ssettm $0x1  }
0x9: {  	s19 =	sld [smem:$0x3FFB];
	_ =	sdelay $0x3  }
0xa: {  	_ =	strace s19  }
0xb: {  	s3 =	sld [smem:$0x3FFC];
	_ =	sdelay $0x3  }
0xc: {  	_ =	strace s3  }
0xd: {  	s3 =	sld [smem:$0x3FFD];
	_ =	sdelay $0x3  }
0xe: {  	_ =	strace s3  }
0xf: {  	_ =	strace $0x8FFFFFFF  }
0x10: {  	s20 =	sld [smem:$0x3FDB];
	_ =	sdelay $0x1  }
0x11: {  	s4 =	simm.s32 $_scs_section_size  }
0x12: {  	s5 =	simm.s32 $_size__tile_overlayer_lowered;
	s6 =	simm.s32 $_tile_overlayer_lowered  }
0x13: {  	s23 =	simm.s32 $0x1BFF;
	s22 =	sshll.u32 s6, $0x1;
	s3 =	sadd.s32 s4, s20  }
0x14: {  	s7 =	simm.s32 $0x0;
	s21 =	sshll.u32 s5, $0x1;
	s5 =	sadd.s32 s22, s3  }
0x15: {  	[timem:s7], [sflag:s23] =	dma.local [hbm:s5], s21  }
0x16: {  	_ =	swait.ge [sflag:s23], s21  }
0x17: {  	s4 =	ssub.s32 $0x0, s21;
	[sflag:s23] =	ssyncset.done $0x0  }
0x18: {  	[sflag:s23] =	ssyncadd.s32 s4;
	_ =	sdelay $0x1  }
0x19: {  	s24 =	simm.s32 $0x1B8B  }
0x1a: {  	_ =	swait.ge [sflag:s24], $0x1  }
0x1b: {  	[sflag:s24] =	ssyncset.done $0x0  }
0x1c: {  	s26 =	simm.s32 $0x1B8E;
	s25 =	sld [smem:$0x3FFE];
	[sflag:s24] =	ssyncadd.s32 $0xFFFFFFFF  }
0x1d: {  	s27 =	simm.s32 $execute0_lowered;
	[smem:$0x3FD2] =	sst s26  }
0x1e: {  	s5 =	sshll.u32 s27, $0x1;
	_ =	strace $0x8000004B;
	[dreg:$0x1] =	wrdreg $0xFFFFFFFF  }
0x1f: {  	s28 =	simm.s32 $_size_execute0_lowered;
	s3 =	sadd.s32 s3, s5;
	[dreg:$0x0] =	wrdreg $0x0  }
0x20: {  	s5 =	sshll.u32 s28, $0x1;
	[dreg:$0x2] =	wrdreg s3  }
0x21: {  	[dreg:$0x3] =	wrdreg s5  }
0x22: {  	[dreg:$0x4] =	wrdreg $0xC0  }
0x23: {  	_ =	task [dreg:s7], $0x5FFFF  }
0x24: {  	[dreg:$0x1] =	wrdreg $0xFFFFFFFF  }
0x25: {  	[dreg:$0x0] =	wrdreg $0x60  }
0x26: {  	[dreg:$0x2] =	wrdreg s25  }
0x27: {  	[dreg:$0x3] =	wrdreg s2  }
0x28: {  	[dreg:$0x4] =	wrdreg $0x9  }
0x29: {  	_ =	task.clear_ibuf [dreg:s7], $0x5FFFF;
	_ =	strace $0x9000004B  }
0x2a: {  	s29 =	simm.s32 $0x9;
	_ =	strace $0x8000004D  }
0x2b: {  	_ =	swait.ge [sflag:s29], $0x1  }
0x2c: {  	[sflag:s29] =	ssyncadd.s32 $0xFFFFFFFF  }
0x2d: {  	_ =	strace $0x9000004D  }
0x2e: {  	_ =	sfence  }
0x2f: {  	s30 =	sld [smem:$0x0];
	_ =	sdelay $0x2  }
0x30: {  	s31 =	sshll.u32 s1, $0xD;
	s1 =	sshrl.u32 s1, $0x2  }
0x31: {  	s3 =	sand.u32 $0x4000, s31;
	s1 =	sadd.s32 s1, s30  }
0x32: {  	s0 =	sor.u32 s3, s0;
	s1 =	sshll.u32 s1, $0x11  }
0x33: {  	s0 =	sor.u32 s1, s0  }
0x34: {  	s0 =	sadd.s32 $0x8F2B, s0  }
0x35: {  	[sflag:s0] =	ssyncadd.remote.s32 $0x1  }
0x36: {  	_ =	sfence.sel $0xFFFF  }
0x37: {  	[dreg:$0x0] =	wrdreg $0xFFFFFFFF;
	(pc) =	sbr.abs _section_cstart, $3  }
0x38: {  	[dreg:$0x1] =	wrdreg $0xFFFFFFFF  }
0x39: {  	_ =	task.clear_ibuf [dreg:s7], $0x2FFFF;
	_ =	strace $0x9FFFFFFF  }
0x3a: {  	(tm) =	ssettm $0x7FFFFFFF  }
0x3b: {  	_ =	shalt  }
tec
execute0_lowered:
.L_overlay_start_1:
0x0: {  	(tag) =	ssettag $0x1  }
0x1: {  	s1 =	rddreg [dreg:$0x0]  }
0x2: {  	s2 =	rddreg [dreg:$0x1]  }
0x3: {  	s0 =	rddreg [dreg:$0x2]  }
0x4: {  	s4 =	srdreg.scid;
	_ =	strace $0x8000004C;
	s6 =	simm.s32 $0x2  }
0x5: {  	s18 =	simm.s32 $0x0;
	p0 =	por $0x0, $0x0;
	s17 =	simm.s32 $0x0  }
0x6: {  	s16 =	simm.s32 $0x0;
	s19 =	simm.s32 $0x0;
	s7 =	simm.s32 $0x0  }
0x7: {  	s8 =	simm.s32 $0x0;
	s10 =	simm.s32 $0x0;
	s11 =	simm.s32 $0x0  }
.Ltmp0:
0x8: {  	s12 =	simm.s32 $0x0;
	s13 =	simm.s32 $0x0;
	(pc) =	sbr.rel .LBB1_1-.Ltmp0, $4  }
0x9: {  	s14 =	simm.s32 $0x0;
	s3 =	sadd.s32 $0x1200, s1;
	s4 =	sshll.u32 s4, $0x4  }
0xa: {  	s1 =	stileid.u32;
	s5 =	sand.u32 $0x10, s4;
	s4 =	simm.s32 $0x1  }
0xb: {  	s9 =	simm.s32 $0x0;
	s5 =	sor.u32 s1, s5;
	[sflag:s4] =	ssyncpa.u1 $0x0  }
0xc: {  	[sflag:s6] =	ssyncpa.u1 $0x0;
	s6 =	simm.s32 $0x40000;
	s15 =	smov.u32 s5  }
.LBB1_5:
0xd: {  	p1 =	slt.u32 s9, $0x2;
	s21 =	smov.u32 s18  }
0xe: {  	s23 =	smov.u32 s15;
	s9 =	sadd.s32 $0x1, s9;
	p0 =	por !p0, !p0  }
0xf: {  	p2 =	sgt.s32 @!p1 s18, $0x48;
	s20 =	sshra.s32 @!p1 s18, $0x1F;
	p3 =	sgt.s32 @!p1 s19, $0x7F  }
0x10: {  	s22 =	sshra.s32 @!p1 s19, $0x1F;
	p2 =	por !p2, p1;
	s18 =	sand.u32 @!p1 s20, s18  }
0x11: {  	p3 =	por !p3, p1;
	s20 =	smov.u32 s19;
	s19 =	sand.u32 @!p1 s22, s19  }
0x12: {  	s21 =	simm.s32 @p2 $0x48;
	s20 =	simm.s32 @p3 $0x7F;
	p2 =	sgt.s32 @!p1 s17, $0xF  }
0x13: {  	s18 =	ssub.s32 @!p1 s21, s18;
	s19 =	ssub.s32 @!p1 s20, s19;
	s21 =	sshra.s32 @!p1 s17, $0x1F  }
0x14: {  	p2 =	por !p2, p1;
	s20 =	sadd.s32 @!p1 $0xFFFFFF81, s19;
	s19 =	ssub.s32 @!p1 $0x80, s19  }
0x15: {  	p3 =	sgt.s32 @!p1 s20, $0x0;
	s20 =	smov.u32 s17;
	s17 =	sand.u32 @!p1 s21, s17  }
0x16: {  	s21 =	sadd.s32 @!p1 $0xFFFFFFB8, s18;
	s20 =	simm.s32 @p2 $0xF;
	p2 =	por !p3, p1  }
0x17: {  	s17 =	ssub.s32 @!p1 s20, s17;
	s20 =	ssub.s32 @!p1 $0x0, s16;
	s19 =	simm.s32 @!p2 $0x0  }
0x18: {  	s16 =	smin.u32 @!p1 s16, s20;
	s20 =	sadd.s32 @!p1 $0xFFFFFFF1, s17;
	s17 =	ssub.s32 @!p1 $0x10, s17  }
0x19: {  	p2 =	sgt.s32 @!p1 s20, $0x0;
	p3 =	sgt.s32 @!p1 s16, $0x7F;
	s16 =	ssub.s32 @!p1 $0x80, s16  }
0x1a: {  	s20 =	sadd.s32 $0x80, s12;
	p2 =	por !p2, p1;
	p3 =	por !p3, p1  }
0x1b: {  	s17 =	simm.s32 @!p2 $0x0;
	s16 =	simm.s32 @!p3 $0x0;
	p2 =	sgt.s32 s20, $0xC7  }
0x1c: {  	p3 =	sgt.s32 @!p1 s21, $0x7F;
	s16 =	smul.u32 @!p1 s19, s16;
	s19 =	simm.s32 $0x1  }
0x1d: {  	s18 =	ssub.s32 @!p1 $0xC8, s18;
	p3 =	por !p3, p1;
	s19 =	simm.s32 @!p2 $0x0  }
0x1e: {  	s22 =	smov.u32 s14;
	s18 =	simm.s32 @!p3 $0x0;
	s21 =	sadd.s32 s19, s13  }
0x1f: {  	s16 =	smul.u32 @!p1 s17, s16;
	s17 =	sadd.s32 $0x80, s14;
	p3 =	sgt.s32 s21, $0xF  }
0x20: {  	s24 =	simm.s32 @!p1 $0x2;
	s20 =	simm.s32 @p2 $0x0;
	s22 =	smov.u32 @p3 s17  }
0x21: {  	s19 =	smov.u32 s11;
	s17 =	sadd.s32 $0x20, s15;
	p2 =	sgt.s32 s22, $0x7F  }
0x22: {  	s11 =	smov.u32 s15;
	s16 =	smul.u32 @!p1 s18, s16;
	s23 =	smov.u32 @p2 s17  }
0x23: {  	s21 =	simm.s32 @p3 $0x0;
	s22 =	simm.s32 @p2 $0x0;
	p2 =	sgt.s32 s23, $0x7F  }
0x24: {  	s18 =	smov.u32 s7;
	s23 =	smov.u32 @p2 s5;
	p2 =	sne.s32 s9, $0x82  }
.Ltmp1:
0x25: {  	s7 =	smov.u32 s12;
	s12 =	smov.u32 s20;
	(pc) =	sbr.rel @!p2 .LBB1_6-.Ltmp1, $4  }
0x26: {  	s16 =	sand.u32 @!p1 $0x3FFFFFFF, s16;
	s17 =	smov.u32 s8;
	s8 =	smov.u32 s13  }
0x27: {  	s13 =	smov.u32 s21;
	_ =	swait.ge @!p1 [sflag:s24], s16;
	s25 =	ssub.s32 @!p1 $0x0, s16  }
0x28: {  	s16 =	smov.u32 s10;
	s10 =	smov.u32 s14;
	[sflag:s24] =	ssyncset.done @!p1 $0x0  }
0x29: {  	s14 =	smov.u32 s22;
	[sflag:s24] =	ssyncadd.s32 @!p1 s25;
	s15 =	smov.u32 s23  }
.LBB1_1:
0x2a: {  	p1 =	sgt.u32 s9, $0x7F  }
0x2b: {  	s20 =	sxor.u32 @!p1 $0xFFFFFFFF, s9;
	s21 =	sand.u32 @!p1 $0x78, s12;
	s22 =	sshll.u32 @!p1 s13, $0x8  }
0x2c: {  	s23 =	sshll.u32 @!p1 s12, $0x3;
	s24 =	sshll.u32 @!p1 s13, $0x7;
	s20 =	sshll.u32 @!p1 s20, $0xE  }
0x2d: {  	s22 =	sand.u32 @!p1 $0x800, s22;
	s23 =	sand.u32 @!p1 $0xC00, s23;
	s20 =	sand.u32 @!p1 $0x4000, s20  }
0x2e: {  	s22 =	sadd.s32 @!p1 s22, s23;
	s23 =	sand.u32 @!p1 $0x300, s24;
	s24 =	sand.u32 @!p1 $0x80, s24  }
0x2f: {  	s22 =	sor.u32 @!p1 s23, s22;
	s21 =	sor.u32 @!p1 s21, s24;
	s23 =	sshll.u32 @!p1 s15, $0x10  }
0x30: {  	s24 =	sshll.u32 @!p1 s14, $0x9;
	s22 =	sshrl.u32 @!p1 s22, $0x3;
	s23 =	sadd.s32 @!p1 s3, s23  }
0x31: {  	s21 =	sshrl.u32 @!p1 s21, $0x3;
	s23 =	sadd.s32 @!p1 s24, s23;
	s24 =	sand.u32 @!p1 $0x7, s12  }
0x32: {  	s22 =	sand.u32 @!p1 $0x1E0, s22;
	s21 =	sadd.s32 @!p1 s21, s23;
	s23 =	sshll.u32 @!p1 s24, $0x12  }
0x33: {  	s21 =	sadd.s32 @!p1 s22, s21;
	s22 =	sor.u32 @!p1 $0x80, s23;
	s23 =	simm.s32 @!p1 $0x1000  }
0x34: {  	[tilespmem:s20], [sflag:$0x1] =	stream.strided.gather @!p1 [hbm4b:s21+s22], $0x4000, s23, s22, $0x38;
	[tilespmem:$0x10100] =	vst v63  }
0x35: {  	p1 =	seq.s32 s9, $0x0  }
0x36: {  	p2 =	seq.s32 @!p1 s9, $0x81  }
0x37: {  	p1 =	por p1, p2  }
.Ltmp2:
0x38: {  	_ = 	snop;
	(pc) =	sbr.rel @p1 .LBB1_5-.Ltmp2, $1  }
0x39: {  	_ =	sdelay $0x3  }
0x3a: {  	s20 =	simm.s32 $0x1  }
0x3b: {  	_ =	swait.ge [sflag:s4], $0x4000;
	s20 =	simm.s32 @!p0 $0x0  }
0x3c: {  	[sflag:s4] =	ssyncset.done $0x0;
	s21 =	sshll.u32 s20, $0xE  }
0x3d: {  	[sflag:s4] =	ssyncadd.s32 $0xFFFFC000;
	s21 =	sor.u32 $0x40, s21  }
0x3e: {  	s20 =	smul.u32 $0x10200, s20;
	v0 =	vld [tilespmem:s21+$0x30]  }
0x3f: {  	v1 =	vld [tilespmem:s21+$0xFFFFFFD0]  }
0x40: {  	s20 =	sshrl.u32 s20, $0x2;
	v5 =	vld [tilespmem:s21+$0xFFFFFFE0]  }
0x41: {  	v6 =	vld [tilespmem:s21+$0xFFFFFFF0];
	s23 =	sor.u32 $0x8000, s20  }
0x42: {  	s31 =	sand.u32 $0x1, s9;
	v4 =	vld [tilespmem:s21+$0x0];
	s22 =	sadd.s32 $0x0, s23  }
0x43: {  	v3 =	vld [tilespmem:s21+$0x10];
	s20 =	smul.u32 $0x10200, s31;
	[tilespmem:s22+$0x3870 ss:$0x81] =	vst.msk $0xffff, v0  }
0x44: {  	v2 =	vld [tilespmem:s21+$0x20];
	[tilespmem:s22+$0x810 ss:$0x81] =	vst.msk $0xffff, v1  }
0x45: {  	s20 =	sshrl.u32 s20, $0x2;
	v1 =	vld [tilespmem:s21+$0xFFFFFFC0];
	[tilespmem:s22+$0x1020 ss:$0x81] =	vst.msk $0xffff, v5;
	s21 =	sadd.s32 $0x80, s21  }
0x46: {  	s24 =	simm.s32 $0x4;
	s25 =	simm.s32 $0x8;
	s20 =	sor.u32 $0x8000, s20;
	[tilespmem:s22+$0x1830 ss:$0x81] =	vst.msk $0xffff, v6;
	v0 =	vld [tilespmem:s21+$0x30]  }
.LBB1_3:
0x47: {  	p1 =	sne.s32 s25, $0x1FC;
	v5 =	vld [tilespmem:s21+$0xFFFFFFD0];
	[tilespmem:s22+$0x2040 ss:$0x81] =	vst.msk $0xffff, v4  }
0x48: {  	v6 =	vld [tilespmem:s21+$0xFFFFFFE0];
	[tilespmem:s22+$0x2850 ss:$0x81] =	vst.msk $0xffff, v3  }
0x49: {  	s26 =	sshra.s32 s24, $0x2;
	s24 =	smov.u32 s25;
	v7 =	vld [tilespmem:s21+$0xFFFFFFF0];
	[tilespmem:s22+$0x3060 ss:$0x81] =	vst.msk $0xffff, v2  }
.Ltmp3:
0x4a: {  	v4 =	vld [tilespmem:s21+$0x0];
	[tilespmem:s22+$0x0 ss:$0x81] =	vst.msk $0xffff, v1;
	s22 =	sadd.s32 s26, s23;
	(pc) =	sbr.rel @p1 .LBB1_3-.Ltmp3, $4  }
0x4b: {  	v3 =	vld [tilespmem:s21+$0x10];
	[tilespmem:s22+$0x3870 ss:$0x81] =	vst.msk $0xffff, v0  }
0x4c: {  	[tilespmem:s22+$0x810 ss:$0x81] =	vst.msk $0xffff, v5;
	v2 =	vld [tilespmem:s21+$0x20]  }
0x4d: {  	v1 =	vld [tilespmem:s21+$0xFFFFFFC0];
	[tilespmem:s22+$0x1020 ss:$0x81] =	vst.msk $0xffff, v6;
	s21 =	sadd.s32 $0x80, s21  }
0x4e: {  	s25 =	sadd.s32 $0x4, s25;
	v0 =	vld [tilespmem:s21+$0x30];
	[tilespmem:s22+$0x1830 ss:$0x81] =	vst.msk $0xffff, v7  }
0x4f: {  	s25 =	sshll.u32 s8, $0x7;
	s26 =	sshll.u32 s10, $0x3  }
0x50: {  	s24 =	sshra.s32 s24, $0x2;
	p1 =	sgt.s32 s11, $0x7F;
	s30 =	sshra.s32 s11, $0x1F  }
0x51: {  	s28 =	smov.u32 s7;
	s27 =	sand.u32 $0x400, s25;
	s26 =	sand.u32 $0x400, s26  }
0x52: {  	s23 =	sadd.s32 s24, s23;
	s25 =	sand.u32 $0x380, s25;
	s29 =	sadd.s32 s26, s27  }
0x53: {  	s26 =	smov.u32 s11;
	s27 =	sand.u32 s30, s11;
	s30 =	sshra.s32 s7, $0x1F  }
0x54: {  	v5 =	vld [tilespmem:s21+$0xFFFFFFD0];
	s26 =	simm.s32 @!p1 $0x7F;
	p1 =	sgt.s32 s7, $0x48;
	s24 =	sor.u32 s25, s29  }
0x55: {  	v58 =	vld [tilespmem:s21+$0xFFFFFFE0];
	s29 =	sshra.s32 s8, $0x1F;
	s28 =	simm.s32 @!p1 $0x48;
	s25 =	ssub.s32 s26, s27  }
0x56: {  	v59 =	vld [tilespmem:s21+$0xFFFFFFF0];
	p1 =	sgt.s32 s8, $0xF;
	s27 =	smov.u32 s8;
	s31 =	sand.u32 s29, s8  }
0x57: {  	v60 =	vld [tilespmem:s21+$0x0];
	s29 =	sand.u32 s30, s7;
	s24 =	sshrl.u32 s24, $0x3;
	s26 =	sadd.s32 $0xFFFFFF81, s25  }
0x58: {  	[tilespmem:s22+$0x2040 ss:$0x81] =	vst.msk $0xffff, v4;
	v61 =	vld [tilespmem:s21+$0x10];
	s27 =	simm.s32 @!p1 $0xF;
	s25 =	ssub.s32 $0x80, s25;
	s30 =	ssub.s32 s28, s29  }
0x59: {  	v62 =	vld [tilespmem:s21+$0x20];
	[tilespmem:s22+$0x2850 ss:$0x81] =	vst.msk $0xffff, v3;
	p1 =	sgt.s32 s26, $0x0;
	s26 =	ssub.s32 s27, s31;
	s31 =	ssub.s32 $0x0, s10  }
0x5a: {  	v63 =	vld [tilespmem:s21+$0xFFFFFFC0];
	[tilespmem:s22+$0x3060 ss:$0x81] =	vst.msk $0xffff, v2;
	s29 =	sadd.s32 $0xFFFFFFB8, s30;
	s21 =	ssub.s32 $0xC8, s30;
	s27 =	smin.u32 s10, s31  }
0x5b: {  	[tilespmem:s22+$0x0 ss:$0x81] =	vst.msk $0xffff, v1;
	s25 =	simm.s32 @p1 $0x0;
	p1 =	sgt.s32 s27, $0x7F;
	s27 =	ssub.s32 $0x80, s27  }
0x5c: {  	[tilespmem:s23+$0x3870 ss:$0x81] =	vst.msk $0xffff, v0;
	s31 =	sadd.s32 $0xFFFFFFF1, s26;
	s26 =	ssub.s32 $0x10, s26;
	s27 =	simm.s32 @p1 $0x0  }
0x5d: {  	[tilespmem:s23+$0x810 ss:$0x81] =	vst.msk $0xffff, v5;
	p1 =	sgt.s32 s31, $0x0;
	s31 =	sshll.u32 s11, $0x8;
	s25 =	smul.u32 s25, s27  }
0x5e: {  	[tilespmem:s23+$0x1020 ss:$0x81] =	vst.msk $0xffff, v58;
	s26 =	simm.s32 @p1 $0x0;
	p1 =	sgt.s32 s29, $0x7F;
	s27 =	sshrl.u32 s10, $0x3  }
0x5f: {  	[tilespmem:s23+$0x1830 ss:$0x81] =	vst.msk $0xffff, v59;
	s29 =	sshll.u32 s7, $0xF;
	s21 =	simm.s32 @p1 $0x0;
	s30 =	smul.u32 s26, s25  }
.Ltmp4:
0x60: {  	[tilespmem:s23+$0x2040 ss:$0x81] =	vst.msk $0xffff, v60;
	s28 =	sand.u32 $0xF, s27;
	s25 =	sadd.s32 s2, s31;
	(pc) =	sbr.rel .LBB1_5-.Ltmp4, $4  }
0x61: {  	[tilespmem:s23+$0x2850 ss:$0x81] =	vst.msk $0xffff, v61;
	s22 =	sadd.s32 s28, s25;
	s21 =	smul.u32 s21, s30;
	s30 =	sand.u32 $0x7, s10  }
0x62: {  	[tilespmem:s23+$0x3060 ss:$0x81] =	vst.msk $0xffff, v62;
	s24 =	sand.u32 $0xF0, s24;
	s22 =	sadd.s32 s29, s22;
	s25 =	sshll.u32 s30, $0x12  }
0x63: {  	[tilespmem:s23+$0x0 ss:$0x81] =	vst.msk $0xffff, v63;
	s22 =	sadd.s32 s24, s22;
	s21 =	sand.u32 $0x3FFFFFFF, s21;
	s31 =	sor.u32 $0x80, s25  }
0x64: {  	[hbm4b:s22+s31] =	stream.strided.scatter [tilespmem:s20], [sflag:$0x2], s21, s6, s31, $0x20;
	[tilespmem:$0x10100] =	vst v63  }
.LBB1_6:
0x65: {  	_ =	sfence.sel $0x180000  }
0x66: {  	s2 =	simm.s32 $0x1;
	[bflag:$0x0] =	sbarrier.arrive $0xFFFF  }
0x67: {  	s31 =	simm.s32 $0x2;
	[sflag:s2] =	ssyncpa.u1 $0x1  }
0x68: {  	[sflag:s31] =	ssyncpa.u1 $0x1  }
0x69: {  	p0 =	sne.s32 s1, $0x0;
	_ =	strace $0x9000004C  }
0x6a: {  	s0 =	sadd.s32 @!p0 $0x100000, s0;
	[bflag:$0x2] =	sbarrier.arrive $0xFFFF  }
0x6b: {  	[sflag:s0] =	ssyncadd.tile.s32 @!p0 $0x1;
	_ =	shalt  }
.Lfunc_end1:
_tile_overlayer_lowered:
.L_overlay_start_2:
0x6c: {  	(tag) =	ssettag $0x2  }
0x6d: {  	s0 =	rddreg [dreg:$0x0];
	s2 =	stileid.u32  }
0x6e: {  	s1 =	rddreg [dreg:$0x1];
	p0 =	sne.s32 s2, $0x0  }
0x6f: {  	s3 =	rddreg [dreg:$0x2];
	[bflag:$0x3] =	sbarrier.arrive $0xFFFF;
	s2 =	simm.s32 @!p0 $0x1C01  }
0x70: {  	[timem:s3], [sflag:s2] =	dma.local @!p0 [hbm:s0], s1  }
0x71: {  	s0 =	simm.s32 @!p0 $0x1  }
0x72: {  	_ =	swait.ge @!p0 [sflag:s0], s1  }
0x73: {  	s1 =	ssub.s32 @!p0 $0x0, s1;
	[sflag:s0] =	ssyncset.done @!p0 $0x0  }
0x74: {  	[sflag:s0] =	ssyncadd.s32 @!p0 s1  }
0x75: {  	[bflag:$0x3] =	sbarrier.arrive $0xFFFF  }
0x76: {  	_ =	shalt  }

</sc_bundles>
